<compile_context>
chip_gen: v7x
topology: tpu7x:2x2x1
jax: 0.10.2.dev20260603
libtpu: 0.0.44.dev20260713+nightly
codegen_flags: <defaults>
</compile_context>

<pallas_src>
import functools
import math

import jax
import jax.numpy as jnp
from jax import lax
from jax.experimental import pallas as pl
from jax.experimental.pallas import tpu as pltpu
from jax.experimental.pallas import tpu_sc as plsc

D_M = 64
SCALE = math.sqrt(D_M)
LANES = 16
CHUNK = 100
NBUF = 4


@functools.lru_cache(maxsize=None)
def _build_emb(rows: int, cols: int, vocab: int, num_cores: int, num_subcores: int):
    nw = num_cores * num_subcores
    n_ch = rows * cols // (nw * CHUNK)
    mesh = plsc.VectorSubcoreMesh(core_axis_name="c", subcore_axis_name="s")
    assert n_ch % NBUF == 0 and n_ch >= 2 * NBUF

    @functools.partial(
        pl.kernel,
        mesh=mesh,
        out_type=jax.ShapeDtypeStruct((rows * cols, 2 * D_M), jnp.float32),
        compiler_params=pltpu.CompilerParams(use_tc_tiling_on_sc=False),
        scratch_types=[
            pltpu.VMEM((n_ch, CHUNK), jnp.int32),
            pltpu.VMEM((NBUF, CHUNK, D_M), jnp.float32),
            pltpu.VMEM((NBUF, CHUNK, D_M), jnp.float32),
            [pltpu.SemaphoreType.DMA] * NBUF,
            [pltpu.SemaphoreType.DMA] * NBUF,
        ],
    )
    def emb(x_hbm, tab_hbm, out_hbm, idx_v, gbuf, sbuf, gsems, ssems):
        wid = lax.axis_index("s") * num_cores + lax.axis_index("c")
        base = wid * n_ch
        pltpu.sync_copy(x_hbm.at[pl.ds(base, n_ch)], idx_v)

        for b in range(NBUF):
            pltpu.async_copy(tab_hbm.at[idx_v.at[b]], gbuf.at[b], gsems[b])

        def scale(b):
            def row(r, c2):
                for c in range(D_M // LANES):
                    sl = pl.ds(c * LANES, LANES)
                    sbuf[b, r, sl] = gbuf[b, r, sl] * SCALE
                return c2

            lax.fori_loop(0, CHUNK, row, 0)

        @pl.loop(0, n_ch, step=NBUF)
        def outer(j0):
            for b in range(NBUF):
                k = j0 + b
                pltpu.make_async_copy(
                    tab_hbm.at[pl.ds(0, CHUNK)], gbuf.at[b], gsems[b]
                ).wait()
                @pl.when(j0 > 0)
                def _():
                    pltpu.make_async_copy(
                        sbuf.at[b],
                        out_hbm.at[pl.ds(0, CHUNK), pl.ds(0, D_M)],
                        ssems[b],
                    ).wait()

                scale(b)
                @pl.when(k + NBUF < n_ch)
                def _():
                    pltpu.async_copy(
                        tab_hbm.at[idx_v.at[k + NBUF]], gbuf.at[b], gsems[b]
                    )

                pltpu.async_copy(
                    sbuf.at[b],
                    out_hbm.at[pl.ds((base + k) * CHUNK, CHUNK), pl.ds(0, D_M)],
                    ssems[b],
                )

        for b in range(NBUF):
            pltpu.make_async_copy(
                sbuf.at[b],
                out_hbm.at[pl.ds(0, CHUNK), pl.ds(0, D_M)],
                ssems[b],
            ).wait()

    return emb


def kernel(x, table):
    rows, cols = x.shape
    vocab = table.shape[0]
    info = plsc.get_sparse_core_info()
    nw = info.num_cores * info.num_subcores
    assert (rows * cols) % (nw * CHUNK) == 0
    n_ch = rows * cols // (nw * CHUNK)
    xf = x.reshape(nw * n_ch, CHUNK).astype(jnp.int32)
    emb = _build_emb(rows, cols, vocab, info.num_cores, info.num_subcores)
    out2 = emb(xf, table)
    return out2[:, :D_M].reshape(rows, cols, D_M)

# --- scband reference (transcript-rebuilt; emitter-appended) ---
"""Pipeline reference for scband-embeddings-32349693674256 (READ-ONLY COPY).

The authoritative reference and input builder live on the scoring server;
editing this copy changes nothing except your own understanding.
"""

import math
import jax, jax.numpy as jnp
import numpy as np

VOCAB = 1000000
D_M = 64

def setup_inputs(seed: int = 0) -> dict:
    key = jax.random.key(seed)
    k1, k2 = jax.random.split(key)
    x = jax.random.randint(k1, (4096, 200), 0, VOCAB, dtype=jnp.int64 if jax.config.jax_enable_x64 else jnp.int32)
    table = jax.random.normal(k2, (VOCAB, D_M), dtype=jnp.float32)
    return {"x": x, "table": table}

def reference(x, table):
    # Embeddings.forward: self.embedding(x) * sqrt(d_m)
    emb = jnp.take(table, x, axis=0)
    return emb * math.sqrt(D_M)

if __name__ == "__main__":
    import jax
    _d = setup_inputs()
    print(jax.jit(kernel)(*tuple(_d.values())))

</pallas_src>

<mosaic_0001>
#map = affine_map<(d0, d1) -> (0, 0)>
module attributes {stable_mosaic.version = 14 : i64} {
  func.func @emb(%arg0: i32, %arg1: i32, %arg2: memref<8192x100xi32, #tpu.memory_space<hbm>>, %arg3: memref<1000000x64xf32, #tpu.memory_space<hbm>>, %arg4: memref<819200x128xf32, #tpu.memory_space<hbm>>, %arg5: memref<256x100xi32, #tpu.memory_space<vmem>>, %arg6: memref<4x100x64xf32, #tpu.memory_space<vmem>>, %arg7: memref<4x100x64xf32, #tpu.memory_space<vmem>>, %arg8: memref<!tpu.dma_semaphore, #tpu.memory_space<semaphore_mem>>, %arg9: memref<!tpu.dma_semaphore, #tpu.memory_space<semaphore_mem>>, %arg10: memref<!tpu.dma_semaphore, #tpu.memory_space<semaphore_mem>>, %arg11: memref<!tpu.dma_semaphore, #tpu.memory_space<semaphore_mem>>, %arg12: memref<!tpu.dma_semaphore, #tpu.memory_space<semaphore_mem>>, %arg13: memref<!tpu.dma_semaphore, #tpu.memory_space<semaphore_mem>>, %arg14: memref<!tpu.dma_semaphore, #tpu.memory_space<semaphore_mem>>, %arg15: memref<!tpu.dma_semaphore, #tpu.memory_space<semaphore_mem>>) attributes {dimension_semantics = [#tpu.dimension_semantics<core_parallel>, #tpu.dimension_semantics<subcore_parallel>], iteration_bounds = array<i64: 2, 16>, scalar_prefetch = 0 : i64, scratch_operands = 11 : i64, tpu.core_type = #tpu.core_type<sc_vector_subcore>, window_params = [{transform_indices = #map}, {transform_indices = #map}, {transform_indices = #map}]} {
    %mul3A = arith.constant 2 : i32
    %mul3A_0 = arith.muli %arg1, %mul3A : i32
    %add3A = arith.addi %mul3A_0, %arg0 : i32
    %mul3A_1 = arith.constant 256 : i32
    %mul3A_2 = arith.muli %add3A, %mul3A_1 : i32
    "tpu.region"() ({
      %run_scoped3A = tpu.sem_alloc : memref<!tpu.dma_semaphore, #tpu.memory_space<semaphore_mem>>
      %dma_start3A_113 = arith.constant 0 : i32
      %dma_start3A_114 = tpu.memref_slice %arg2[%mul3A_2, %dma_start3A_113] : memref<8192x100xi32, #tpu.memory_space<hbm>> -> memref<256x100xi32, #tpu.memory_space<hbm>>
      %dma_start3A_115 = arith.constant 0 : i32
      %dma_start3A_116 = tpu.memref_slice %arg2[%mul3A_2, %dma_start3A_115] : memref<8192x100xi32, #tpu.memory_space<hbm>> -> memref<256x100xi32, #tpu.memory_space<hbm>>
      tpu.enqueue_dma source(%dma_start3A_116 : memref<256x100xi32, #tpu.memory_space<hbm>>) target(%arg5 : memref<256x100xi32, #tpu.memory_space<vmem>>) target_semaphore(%run_scoped3A : memref<!tpu.dma_semaphore, #tpu.memory_space<semaphore_mem>>)
      %dma_wait3A_117 = arith.constant 0 : i32
      %dma_wait3A_118 = tpu.memref_slice %arg2[%mul3A_2, %dma_wait3A_117] : memref<8192x100xi32, #tpu.memory_space<hbm>> -> memref<256x100xi32, #tpu.memory_space<hbm>>
      %dma_wait3A_119 = arith.constant 0 : i32
      %dma_wait3A_120 = tpu.memref_slice %arg2[%mul3A_2, %dma_wait3A_119] : memref<8192x100xi32, #tpu.memory_space<hbm>> -> memref<256x100xi32, #tpu.memory_space<hbm>>
      tpu.wait_dma2 semaphore(%run_scoped3A : memref<!tpu.dma_semaphore, #tpu.memory_space<semaphore_mem>>) src(%dma_wait3A_120 : memref<256x100xi32, #tpu.memory_space<hbm>>) dst(%arg5 : memref<256x100xi32, #tpu.memory_space<vmem>>)
      tpu.yield
    }) : () -> ()
    %dma_start3A = arith.constant 0 : i32
    %dma_start3A_3 = arith.constant 0 : i32
    %dma_start3A_4 = arith.constant 0 : i32
    %dma_start3A_5 = arith.constant 0 : i32
    %dma_start3A_6 = tpu.memref_slice %arg6[%dma_start3A_3, %dma_start3A_4, %dma_start3A_5] : memref<4x100x64xf32, #tpu.memory_space<vmem>> -> memref<1x100x64xf32, #tpu.memory_space<vmem>>
    %dma_start3A_7 = tpu.memref_squeeze %dma_start3A_6 : memref<1x100x64xf32, #tpu.memory_space<vmem>> -> memref<100x64xf32, #tpu.memory_space<vmem>>
    %dma_start3A_8 = arith.constant 0 : i32
    %dma_start3A_9 = tpu.memref_slice %arg5[%dma_start3A, %dma_start3A_8] : memref<256x100xi32, #tpu.memory_space<vmem>> -> memref<1x100xi32, #tpu.memory_space<vmem>>
    %dma_start3A_10 = tpu.memref_squeeze %dma_start3A_9 : memref<1x100xi32, #tpu.memory_space<vmem>> -> memref<100xi32, #tpu.memory_space<vmem>>
    %dma_start3A_11 = arith.constant 0 : i32
    %dma_start3A_12 = arith.constant 0 : i32
    %dma_start3A_13 = tpu.memref_slice %arg3[%dma_start3A_11, %dma_start3A_12] : memref<1000000x64xf32, #tpu.memory_space<hbm>> -> memref<1000000x64xf32, #tpu.memory_space<hbm>>
    tpu.enqueue_indirect_dma source(%dma_start3A_13 : memref<1000000x64xf32, #tpu.memory_space<hbm>>) target(%dma_start3A_7 : memref<100x64xf32, #tpu.memory_space<vmem>>) offsets(%dma_start3A_10 : memref<100xi32, #tpu.memory_space<vmem>>) semaphore(%arg8 : memref<!tpu.dma_semaphore, #tpu.memory_space<semaphore_mem>>)
    %dma_start3A_14 = arith.constant 1 : i32
    %dma_start3A_15 = arith.constant 1 : i32
    %dma_start3A_16 = arith.constant 0 : i32
    %dma_start3A_17 = arith.constant 0 : i32
    %dma_start3A_18 = tpu.memref_slice %arg6[%dma_start3A_15, %dma_start3A_16, %dma_start3A_17] : memref<4x100x64xf32, #tpu.memory_space<vmem>> -> memref<1x100x64xf32, #tpu.memory_space<vmem>>
    %dma_start3A_19 = tpu.memref_squeeze %dma_start3A_18 : memref<1x100x64xf32, #tpu.memory_space<vmem>> -> memref<100x64xf32, #tpu.memory_space<vmem>>
    %dma_start3A_20 = arith.constant 0 : i32
    %dma_start3A_21 = tpu.memref_slice %arg5[%dma_start3A_14, %dma_start3A_20] : memref<256x100xi32, #tpu.memory_space<vmem>> -> memref<1x100xi32, #tpu.memory_space<vmem>>
    %dma_start3A_22 = tpu.memref_squeeze %dma_start3A_21 : memref<1x100xi32, #tpu.memory_space<vmem>> -> memref<100xi32, #tpu.memory_space<vmem>>
    %dma_start3A_23 = arith.constant 0 : i32
    %dma_start3A_24 = arith.constant 0 : i32
    %dma_start3A_25 = tpu.memref_slice %arg3[%dma_start3A_23, %dma_start3A_24] : memref<1000000x64xf32, #tpu.memory_space<hbm>> -> memref<1000000x64xf32, #tpu.memory_space<hbm>>
    tpu.enqueue_indirect_dma source(%dma_start3A_25 : memref<1000000x64xf32, #tpu.memory_space<hbm>>) target(%dma_start3A_19 : memref<100x64xf32, #tpu.memory_space<vmem>>) offsets(%dma_start3A_22 : memref<100xi32, #tpu.memory_space<vmem>>) semaphore(%arg9 : memref<!tpu.dma_semaphore, #tpu.memory_space<semaphore_mem>>)
    %dma_start3A_26 = arith.constant 2 : i32
    %dma_start3A_27 = arith.constant 2 : i32
    %dma_start3A_28 = arith.constant 0 : i32
    %dma_start3A_29 = arith.constant 0 : i32
    %dma_start3A_30 = tpu.memref_slice %arg6[%dma_start3A_27, %dma_start3A_28, %dma_start3A_29] : memref<4x100x64xf32, #tpu.memory_space<vmem>> -> memref<1x100x64xf32, #tpu.memory_space<vmem>>
    %dma_start3A_31 = tpu.memref_squeeze %dma_start3A_30 : memref<1x100x64xf32, #tpu.memory_space<vmem>> -> memref<100x64xf32, #tpu.memory_space<vmem>>
    %dma_start3A_32 = arith.constant 0 : i32
    %dma_start3A_33 = tpu.memref_slice %arg5[%dma_start3A_26, %dma_start3A_32] : memref<256x100xi32, #tpu.memory_space<vmem>> -> memref<1x100xi32, #tpu.memory_space<vmem>>
    %dma_start3A_34 = tpu.memref_squeeze %dma_start3A_33 : memref<1x100xi32, #tpu.memory_space<vmem>> -> memref<100xi32, #tpu.memory_space<vmem>>
    %dma_start3A_35 = arith.constant 0 : i32
    %dma_start3A_36 = arith.constant 0 : i32
    %dma_start3A_37 = tpu.memref_slice %arg3[%dma_start3A_35, %dma_start3A_36] : memref<1000000x64xf32, #tpu.memory_space<hbm>> -> memref<1000000x64xf32, #tpu.memory_space<hbm>>
    tpu.enqueue_indirect_dma source(%dma_start3A_37 : memref<1000000x64xf32, #tpu.memory_space<hbm>>) target(%dma_start3A_31 : memref<100x64xf32, #tpu.memory_space<vmem>>) offsets(%dma_start3A_34 : memref<100xi32, #tpu.memory_space<vmem>>) semaphore(%arg10 : memref<!tpu.dma_semaphore, #tpu.memory_space<semaphore_mem>>)
    %dma_start3A_38 = arith.constant 3 : i32
    %dma_start3A_39 = arith.constant 3 : i32
    %dma_start3A_40 = arith.constant 0 : i32
    %dma_start3A_41 = arith.constant 0 : i32
    %dma_start3A_42 = tpu.memref_slice %arg6[%dma_start3A_39, %dma_start3A_40, %dma_start3A_41] : memref<4x100x64xf32, #tpu.memory_space<vmem>> -> memref<1x100x64xf32, #tpu.memory_space<vmem>>
    %dma_start3A_43 = tpu.memref_squeeze %dma_start3A_42 : memref<1x100x64xf32, #tpu.memory_space<vmem>> -> memref<100x64xf32, #tpu.memory_space<vmem>>
    %dma_start3A_44 = arith.constant 0 : i32
    %dma_start3A_45 = tpu.memref_slice %arg5[%dma_start3A_38, %dma_start3A_44] : memref<256x100xi32, #tpu.memory_space<vmem>> -> memref<1x100xi32, #tpu.memory_space<vmem>>
    %dma_start3A_46 = tpu.memref_squeeze %dma_start3A_45 : memref<1x100xi32, #tpu.memory_space<vmem>> -> memref<100xi32, #tpu.memory_space<vmem>>
    %dma_start3A_47 = arith.constant 0 : i32
    %dma_start3A_48 = arith.constant 0 : i32
    %dma_start3A_49 = tpu.memref_slice %arg3[%dma_start3A_47, %dma_start3A_48] : memref<1000000x64xf32, #tpu.memory_space<hbm>> -> memref<1000000x64xf32, #tpu.memory_space<hbm>>
    tpu.enqueue_indirect_dma source(%dma_start3A_49 : memref<1000000x64xf32, #tpu.memory_space<hbm>>) target(%dma_start3A_43 : memref<100x64xf32, #tpu.memory_space<vmem>>) offsets(%dma_start3A_46 : memref<100xi32, #tpu.memory_space<vmem>>) semaphore(%arg11 : memref<!tpu.dma_semaphore, #tpu.memory_space<semaphore_mem>>)
    %scan3A = arith.constant 0 : i32
    %scan3A_50 = arith.constant 64 : i32
    %scan3A_51 = arith.addi %scan3A, %scan3A_50 : i32
    %scan3A_52 = arith.constant 1 : i32
    scf.for %scan3A_113 = %scan3A to %scan3A_51 step %scan3A_52  : i32 {
      %mul3A_114 = arith.constant 4 : i32
      %mul3A_115 = arith.muli %scan3A_113, %mul3A_114 : i32
      %add3A_116 = arith.constant 0 : i32
      %add3A_117 = arith.addi %add3A_116, %mul3A_115 : i32
      %add3A_118 = arith.constant 0 : i32
      %add3A_119 = arith.addi %add3A_117, %add3A_118 : i32
      %dma_wait3A_120 = arith.constant 0 : i32
      %dma_wait3A_121 = arith.constant 0 : i32
      %dma_wait3A_122 = arith.constant 0 : i32
      %dma_wait3A_123 = tpu.memref_slice %arg6[%dma_wait3A_120, %dma_wait3A_121, %dma_wait3A_122] : memref<4x100x64xf32, #tpu.memory_space<vmem>> -> memref<1x100x64xf32, #tpu.memory_space<vmem>>
      %dma_wait3A_124 = tpu.memref_squeeze %dma_wait3A_123 : memref<1x100x64xf32, #tpu.memory_space<vmem>> -> memref<100x64xf32, #tpu.memory_space<vmem>>
      %dma_wait3A_125 = arith.constant 0 : i32
      %dma_wait3A_126 = arith.constant 0 : i32
      %dma_wait3A_127 = tpu.memref_slice %arg3[%dma_wait3A_125, %dma_wait3A_126] : memref<1000000x64xf32, #tpu.memory_space<hbm>> -> memref<100x64xf32, #tpu.memory_space<hbm>>
      %dma_wait3A_128 = arith.constant 0 : i32
      %dma_wait3A_129 = arith.constant 0 : i32
      %dma_wait3A_130 = tpu.memref_slice %arg6[%dma_wait3A_120, %dma_wait3A_128, %dma_wait3A_129] : memref<4x100x64xf32, #tpu.memory_space<vmem>> -> memref<1x100x64xf32, #tpu.memory_space<vmem>>
      %dma_wait3A_131 = tpu.memref_squeeze %dma_wait3A_130 : memref<1x100x64xf32, #tpu.memory_space<vmem>> -> memref<100x64xf32, #tpu.memory_space<vmem>>
      %dma_wait3A_132 = arith.constant 0 : i32
      %dma_wait3A_133 = arith.constant 0 : i32
      %dma_wait3A_134 = tpu.memref_slice %arg3[%dma_wait3A_132, %dma_wait3A_133] : memref<1000000x64xf32, #tpu.memory_space<hbm>> -> memref<100x64xf32, #tpu.memory_space<hbm>>
      tpu.wait_dma2 semaphore(%arg8 : memref<!tpu.dma_semaphore, #tpu.memory_space<semaphore_mem>>) src(%dma_wait3A_134 : memref<100x64xf32, #tpu.memory_space<hbm>>) dst(%dma_wait3A_131 : memref<100x64xf32, #tpu.memory_space<vmem>>)
      %gt3A = arith.constant 0 : i32
      %gt3A_135 = arith.cmpi sgt, %add3A_117, %gt3A : i32
      %convert_element_type3A = arith.extui %gt3A_135 : i1 to i32
      %cond3A = arith.constant 0 : i32
      %cond3A_136 = arith.cmpi ne, %convert_element_type3A, %cond3A : i32
      scf.if %cond3A_136 {
        %dma_wait3A_318 = arith.constant 0 : i32
        %dma_wait3A_319 = arith.constant 0 : i32
        %dma_wait3A_320 = arith.constant 0 : i32
        %dma_wait3A_321 = tpu.memref_slice %arg7[%dma_wait3A_318, %dma_wait3A_319, %dma_wait3A_320] : memref<4x100x64xf32, #tpu.memory_space<vmem>> -> memref<1x100x64xf32, #tpu.memory_space<vmem>>
        %dma_wait3A_322 = tpu.memref_squeeze %dma_wait3A_321 : memref<1x100x64xf32, #tpu.memory_space<vmem>> -> memref<100x64xf32, #tpu.memory_space<vmem>>
        %dma_wait3A_323 = arith.constant 0 : i32
        %dma_wait3A_324 = arith.constant 0 : i32
        %dma_wait3A_325 = tpu.memref_slice %arg4[%dma_wait3A_323, %dma_wait3A_324] : memref<819200x128xf32, #tpu.memory_space<hbm>> -> memref<100x64xf32, #tpu.memory_space<hbm>>
        %dma_wait3A_326 = arith.constant 0 : i32
        %dma_wait3A_327 = arith.constant 0 : i32
        %dma_wait3A_328 = tpu.memref_slice %arg4[%dma_wait3A_326, %dma_wait3A_327] : memref<819200x128xf32, #tpu.memory_space<hbm>> -> memref<100x64xf32, #tpu.memory_space<hbm>>
        %dma_wait3A_329 = arith.constant 0 : i32
        %dma_wait3A_330 = arith.constant 0 : i32
        %dma_wait3A_331 = tpu.memref_slice %arg7[%dma_wait3A_318, %dma_wait3A_329, %dma_wait3A_330] : memref<4x100x64xf32, #tpu.memory_space<vmem>> -> memref<1x100x64xf32, #tpu.memory_space<vmem>>
        %dma_wait3A_332 = tpu.memref_squeeze %dma_wait3A_331 : memref<1x100x64xf32, #tpu.memory_space<vmem>> -> memref<100x64xf32, #tpu.memory_space<vmem>>
        tpu.wait_dma2 semaphore(%arg12 : memref<!tpu.dma_semaphore, #tpu.memory_space<semaphore_mem>>) src(%dma_wait3A_332 : memref<100x64xf32, #tpu.memory_space<vmem>>) dst(%dma_wait3A_328 : memref<100x64xf32, #tpu.memory_space<hbm>>)
      } else {
      }
      %scan3A_137 = arith.constant 0 : i32
      %scan3A_138 = arith.constant 0 : i32
      %scan3A_139 = arith.constant 100 : i32
      %scan3A_140 = arith.addi %scan3A_138, %scan3A_139 : i32
      %scan3A_141 = arith.constant 1 : i32
      scf.for %scan3A_318 = %scan3A_138 to %scan3A_140 step %scan3A_141  : i32 {
        %get3A = arith.constant 0 : i32
        %get3A_319 = arith.index_cast %get3A : i32 to index
        %get3A_320 = arith.index_cast %scan3A_318 : i32 to index
        %get3A_321 = arith.constant 0 : index
        %get3A_322 = tpu.vector_load %arg6[%get3A_319, %get3A_320, %get3A_321] {strides = array<i32>} : memref<4x100x64xf32, #tpu.memory_space<vmem>>, vector<1x1x16xf32>,
        %get3A_323 = vector.shape_cast %get3A_322 : vector<1x1x16xf32> to vector<16xf32>
        %mul3A_324 = arith.constant 8.000000e+00 : f32
        %mul3A_325 = vector.broadcast %mul3A_324 : f32 to vector<16xf32>
        %mul3A_326 = arith.mulf %get3A_323, %mul3A_325 : vector<16xf32>
        %swap3A = arith.constant 0 : i32
        %swap3A_327 = arith.index_cast %swap3A : i32 to index
        %swap3A_328 = arith.index_cast %scan3A_318 : i32 to index
        %swap3A_329 = arith.constant 0 : index
        %swap3A_330 = tpu.vector_load %arg7[%swap3A_327, %swap3A_328, %swap3A_329] {strides = array<i32>} : memref<4x100x64xf32, #tpu.memory_space<vmem>>, vector<1x1x16xf32>,
        %swap3A_331 = vector.shape_cast %swap3A_330 : vector<1x1x16xf32> to vector<16xf32>
        %swap3A_332 = vector.shape_cast %mul3A_326 : vector<16xf32> to vector<1x1x16xf32>
        tpu.vector_store %arg7[%swap3A_327, %swap3A_328, %swap3A_329], %swap3A_332 {strides = array<i32>} : memref<4x100x64xf32, #tpu.memory_space<vmem>>, vector<1x1x16xf32>,
        %get3A_333 = arith.constant 0 : i32
        %get3A_334 = arith.index_cast %get3A_333 : i32 to index
        %get3A_335 = arith.index_cast %scan3A_318 : i32 to index
        %get3A_336 = arith.constant 16 : index
        %get3A_337 = tpu.vector_load %arg6[%get3A_334, %get3A_335, %get3A_336] {strides = array<i32>} : memref<4x100x64xf32, #tpu.memory_space<vmem>>, vector<1x1x16xf32>,
        %get3A_338 = vector.shape_cast %get3A_337 : vector<1x1x16xf32> to vector<16xf32>
        %mul3A_339 = arith.constant 8.000000e+00 : f32
        %mul3A_340 = vector.broadcast %mul3A_339 : f32 to vector<16xf32>
        %mul3A_341 = arith.mulf %get3A_338, %mul3A_340 : vector<16xf32>
        %swap3A_342 = arith.constant 0 : i32
        %swap3A_343 = arith.index_cast %swap3A_342 : i32 to index
        %swap3A_344 = arith.index_cast %scan3A_318 : i32 to index
        %swap3A_345 = arith.constant 16 : index
        %swap3A_346 = tpu.vector_load %arg7[%swap3A_343, %swap3A_344, %swap3A_345] {strides = array<i32>} : memref<4x100x64xf32, #tpu.memory_space<vmem>>, vector<1x1x16xf32>,
        %swap3A_347 = vector.shape_cast %swap3A_346 : vector<1x1x16xf32> to vector<16xf32>
        %swap3A_348 = vector.shape_cast %mul3A_341 : vector<16xf32> to vector<1x1x16xf32>
        tpu.vector_store %arg7[%swap3A_343, %swap3A_344, %swap3A_345], %swap3A_348 {strides = array<i32>} : memref<4x100x64xf32, #tpu.memory_space<vmem>>, vector<1x1x16xf32>,
        %get3A_349 = arith.constant 0 : i32
        %get3A_350 = arith.index_cast %get3A_349 : i32 to index
        %get3A_351 = arith.index_cast %scan3A_318 : i32 to index
        %get3A_352 = arith.constant 32 : index
        %get3A_353 = tpu.vector_load %arg6[%get3A_350, %get3A_351, %get3A_352] {strides = array<i32>} : memref<4x100x64xf32, #tpu.memory_space<vmem>>, vector<1x1x16xf32>,
        %get3A_354 = vector.shape_cast %get3A_353 : vector<1x1x16xf32> to vector<16xf32>
        %mul3A_355 = arith.constant 8.000000e+00 : f32
        %mul3A_356 = vector.broadcast %mul3A_355 : f32 to vector<16xf32>
        %mul3A_357 = arith.mulf %get3A_354, %mul3A_356 : vector<16xf32>
        %swap3A_358 = arith.constant 0 : i32
        %swap3A_359 = arith.index_cast %swap3A_358 : i32 to index
        %swap3A_360 = arith.index_cast %scan3A_318 : i32 to index
        %swap3A_361 = arith.constant 32 : index
        %swap3A_362 = tpu.vector_load %arg7[%swap3A_359, %swap3A_360, %swap3A_361] {strides = array<i32>} : memref<4x100x64xf32, #tpu.memory_space<vmem>>, vector<1x1x16xf32>,
        %swap3A_363 = vector.shape_cast %swap3A_362 : vector<1x1x16xf32> to vector<16xf32>
        %swap3A_364 = vector.shape_cast %mul3A_357 : vector<16xf32> to vector<1x1x16xf32>
        tpu.vector_store %arg7[%swap3A_359, %swap3A_360, %swap3A_361], %swap3A_364 {strides = array<i32>} : memref<4x100x64xf32, #tpu.memory_space<vmem>>, vector<1x1x16xf32>,
        %get3A_365 = arith.constant 0 : i32
        %get3A_366 = arith.index_cast %get3A_365 : i32 to index
        %get3A_367 = arith.index_cast %scan3A_318 : i32 to index
        %get3A_368 = arith.constant 48 : index
        %get3A_369 = tpu.vector_load %arg6[%get3A_366, %get3A_367, %get3A_368] {strides = array<i32>} : memref<4x100x64xf32, #tpu.memory_space<vmem>>, vector<1x1x16xf32>,
        %get3A_370 = vector.shape_cast %get3A_369 : vector<1x1x16xf32> to vector<16xf32>
        %mul3A_371 = arith.constant 8.000000e+00 : f32
        %mul3A_372 = vector.broadcast %mul3A_371 : f32 to vector<16xf32>
        %mul3A_373 = arith.mulf %get3A_370, %mul3A_372 : vector<16xf32>
        %swap3A_374 = arith.constant 0 : i32
        %swap3A_375 = arith.index_cast %swap3A_374 : i32 to index
        %swap3A_376 = arith.index_cast %scan3A_318 : i32 to index
        %swap3A_377 = arith.constant 48 : index
        %swap3A_378 = tpu.vector_load %arg7[%swap3A_375, %swap3A_376, %swap3A_377] {strides = array<i32>} : memref<4x100x64xf32, #tpu.memory_space<vmem>>, vector<1x1x16xf32>,
        %swap3A_379 = vector.shape_cast %swap3A_378 : vector<1x1x16xf32> to vector<16xf32>
        %swap3A_380 = vector.shape_cast %mul3A_373 : vector<16xf32> to vector<1x1x16xf32>
        tpu.vector_store %arg7[%swap3A_375, %swap3A_376, %swap3A_377], %swap3A_380 {strides = array<i32>} : memref<4x100x64xf32, #tpu.memory_space<vmem>>, vector<1x1x16xf32>,
      }
      %scan3A_142 = arith.constant 100 : i32
      %add3A_143 = arith.constant 4 : i32
      %add3A_144 = arith.addi %add3A_119, %add3A_143 : i32
      %lt3A = arith.constant 256 : i32
      %lt3A_145 = arith.cmpi slt, %add3A_144, %lt3A : i32
      %convert_element_type3A_146 = arith.extui %lt3A_145 : i1 to i32
      %cond3A_147 = arith.constant 0 : i32
      %cond3A_148 = arith.cmpi ne, %convert_element_type3A_146, %cond3A_147 : i32
      scf.if %cond3A_148 {
        %add3A_318 = arith.constant 4 : i32
        %add3A_319 = arith.addi %add3A_119, %add3A_318 : i32
        %dma_start3A_320 = arith.constant 0 : i32
        %dma_start3A_321 = arith.constant 0 : i32
        %dma_start3A_322 = arith.constant 0 : i32
        %dma_start3A_323 = tpu.memref_slice %arg6[%dma_start3A_320, %dma_start3A_321, %dma_start3A_322] : memref<4x100x64xf32, #tpu.memory_space<vmem>> -> memref<1x100x64xf32, #tpu.memory_space<vmem>>
        %dma_start3A_324 = tpu.memref_squeeze %dma_start3A_323 : memref<1x100x64xf32, #tpu.memory_space<vmem>> -> memref<100x64xf32, #tpu.memory_space<vmem>>
        %dma_start3A_325 = arith.constant 0 : i32
        %dma_start3A_326 = tpu.memref_slice %arg5[%add3A_319, %dma_start3A_325] : memref<256x100xi32, #tpu.memory_space<vmem>> -> memref<1x100xi32, #tpu.memory_space<vmem>>
        %dma_start3A_327 = tpu.memref_squeeze %dma_start3A_326 : memref<1x100xi32, #tpu.memory_space<vmem>> -> memref<100xi32, #tpu.memory_space<vmem>>
        %dma_start3A_328 = arith.constant 0 : i32
        %dma_start3A_329 = arith.constant 0 : i32
        %dma_start3A_330 = tpu.memref_slice %arg3[%dma_start3A_328, %dma_start3A_329] : memref<1000000x64xf32, #tpu.memory_space<hbm>> -> memref<1000000x64xf32, #tpu.memory_space<hbm>>
        tpu.enqueue_indirect_dma source(%dma_start3A_330 : memref<1000000x64xf32, #tpu.memory_space<hbm>>) target(%dma_start3A_324 : memref<100x64xf32, #tpu.memory_space<vmem>>) offsets(%dma_start3A_327 : memref<100xi32, #tpu.memory_space<vmem>>) semaphore(%arg8 : memref<!tpu.dma_semaphore, #tpu.memory_space<semaphore_mem>>)
      } else {
      }
      %add3A_149 = arith.addi %mul3A_2, %add3A_119 : i32
      %mul3A_150 = arith.constant 100 : i32
      %mul3A_151 = arith.muli %add3A_149, %mul3A_150 : i32
      %dma_start3A_152 = arith.constant 0 : i32
      %dma_start3A_153 = arith.constant 0 : i32
      %dma_start3A_154 = arith.constant 0 : i32
      %dma_start3A_155 = tpu.memref_slice %arg7[%dma_start3A_152, %dma_start3A_153, %dma_start3A_154] : memref<4x100x64xf32, #tpu.memory_space<vmem>> -> memref<1x100x64xf32, #tpu.memory_space<vmem>>
      %dma_start3A_156 = tpu.memref_squeeze %dma_start3A_155 : memref<1x100x64xf32, #tpu.memory_space<vmem>> -> memref<100x64xf32, #tpu.memory_space<vmem>>
      %dma_start3A_157 = arith.constant 0 : i32
      %dma_start3A_158 = tpu.memref_slice %arg4[%mul3A_151, %dma_start3A_157] : memref<819200x128xf32, #tpu.memory_space<hbm>> -> memref<100x64xf32, #tpu.memory_space<hbm>>
      %dma_start3A_159 = arith.constant 0 : i32
      %dma_start3A_160 = tpu.memref_slice %arg4[%mul3A_151, %dma_start3A_159] : memref<819200x128xf32, #tpu.memory_space<hbm>> -> memref<100x64xf32, #tpu.memory_space<hbm>>
      %dma_start3A_161 = arith.constant 0 : i32
      %dma_start3A_162 = arith.constant 0 : i32
      %dma_start3A_163 = tpu.memref_slice %arg7[%dma_start3A_152, %dma_start3A_161, %dma_start3A_162] : memref<4x100x64xf32, #tpu.memory_space<vmem>> -> memref<1x100x64xf32, #tpu.memory_space<vmem>>
      %dma_start3A_164 = tpu.memref_squeeze %dma_start3A_163 : memref<1x100x64xf32, #tpu.memory_space<vmem>> -> memref<100x64xf32, #tpu.memory_space<vmem>>
      tpu.enqueue_dma source(%dma_start3A_164 : memref<100x64xf32, #tpu.memory_space<vmem>>) target(%dma_start3A_160 : memref<100x64xf32, #tpu.memory_space<hbm>>) target_semaphore(%arg12 : memref<!tpu.dma_semaphore, #tpu.memory_space<semaphore_mem>>)
      %add3A_165 = arith.constant 1 : i32
      %add3A_166 = arith.addi %add3A_117, %add3A_165 : i32
      %dma_wait3A_167 = arith.constant 1 : i32
      %dma_wait3A_168 = arith.constant 0 : i32
      %dma_wait3A_169 = arith.constant 0 : i32
      %dma_wait3A_170 = tpu.memref_slice %arg6[%dma_wait3A_167, %dma_wait3A_168, %dma_wait3A_169] : memref<4x100x64xf32, #tpu.memory_space<vmem>> -> memref<1x100x64xf32, #tpu.memory_space<vmem>>
      %dma_wait3A_171 = tpu.memref_squeeze %dma_wait3A_170 : memref<1x100x64xf32, #tpu.memory_space<vmem>> -> memref<100x64xf32, #tpu.memory_space<vmem>>
      %dma_wait3A_172 = arith.constant 0 : i32
      %dma_wait3A_173 = arith.constant 0 : i32
      %dma_wait3A_174 = tpu.memref_slice %arg3[%dma_wait3A_172, %dma_wait3A_173] : memref<1000000x64xf32, #tpu.memory_space<hbm>> -> memref<100x64xf32, #tpu.memory_space<hbm>>
      %dma_wait3A_175 = arith.constant 0 : i32
      %dma_wait3A_176 = arith.constant 0 : i32
      %dma_wait3A_177 = tpu.memref_slice %arg6[%dma_wait3A_167, %dma_wait3A_175, %dma_wait3A_176] : memref<4x100x64xf32, #tpu.memory_space<vmem>> -> memref<1x100x64xf32, #tpu.memory_space<vmem>>
      %dma_wait3A_178 = tpu.memref_squeeze %dma_wait3A_177 : memref<1x100x64xf32, #tpu.memory_space<vmem>> -> memref<100x64xf32, #tpu.memory_space<vmem>>
      %dma_wait3A_179 = arith.constant 0 : i32
      %dma_wait3A_180 = arith.constant 0 : i32
      %dma_wait3A_181 = tpu.memref_slice %arg3[%dma_wait3A_179, %dma_wait3A_180] : memref<1000000x64xf32, #tpu.memory_space<hbm>> -> memref<100x64xf32, #tpu.memory_space<hbm>>
      tpu.wait_dma2 semaphore(%arg9 : memref<!tpu.dma_semaphore, #tpu.memory_space<semaphore_mem>>) src(%dma_wait3A_181 : memref<100x64xf32, #tpu.memory_space<hbm>>) dst(%dma_wait3A_178 : memref<100x64xf32, #tpu.memory_space<vmem>>)
      %gt3A_182 = arith.constant 0 : i32
      %gt3A_183 = arith.cmpi sgt, %add3A_117, %gt3A_182 : i32
      %convert_element_type3A_184 = arith.extui %gt3A_183 : i1 to i32
      %cond3A_185 = arith.constant 0 : i32
      %cond3A_186 = arith.cmpi ne, %convert_element_type3A_184, %cond3A_185 : i32
      scf.if %cond3A_186 {
        %dma_wait3A_318 = arith.constant 1 : i32
        %dma_wait3A_319 = arith.constant 0 : i32
        %dma_wait3A_320 = arith.constant 0 : i32
        %dma_wait3A_321 = tpu.memref_slice %arg7[%dma_wait3A_318, %dma_wait3A_319, %dma_wait3A_320] : memref<4x100x64xf32, #tpu.memory_space<vmem>> -> memref<1x100x64xf32, #tpu.memory_space<vmem>>
        %dma_wait3A_322 = tpu.memref_squeeze %dma_wait3A_321 : memref<1x100x64xf32, #tpu.memory_space<vmem>> -> memref<100x64xf32, #tpu.memory_space<vmem>>
        %dma_wait3A_323 = arith.constant 0 : i32
        %dma_wait3A_324 = arith.constant 0 : i32
        %dma_wait3A_325 = tpu.memref_slice %arg4[%dma_wait3A_323, %dma_wait3A_324] : memref<819200x128xf32, #tpu.memory_space<hbm>> -> memref<100x64xf32, #tpu.memory_space<hbm>>
        %dma_wait3A_326 = arith.constant 0 : i32
        %dma_wait3A_327 = arith.constant 0 : i32
        %dma_wait3A_328 = tpu.memref_slice %arg4[%dma_wait3A_326, %dma_wait3A_327] : memref<819200x128xf32, #tpu.memory_space<hbm>> -> memref<100x64xf32, #tpu.memory_space<hbm>>
        %dma_wait3A_329 = arith.constant 0 : i32
        %dma_wait3A_330 = arith.constant 0 : i32
        %dma_wait3A_331 = tpu.memref_slice %arg7[%dma_wait3A_318, %dma_wait3A_329, %dma_wait3A_330] : memref<4x100x64xf32, #tpu.memory_space<vmem>> -> memref<1x100x64xf32, #tpu.memory_space<vmem>>
        %dma_wait3A_332 = tpu.memref_squeeze %dma_wait3A_331 : memref<1x100x64xf32, #tpu.memory_space<vmem>> -> memref<100x64xf32, #tpu.memory_space<vmem>>
        tpu.wait_dma2 semaphore(%arg13 : memref<!tpu.dma_semaphore, #tpu.memory_space<semaphore_mem>>) src(%dma_wait3A_332 : memref<100x64xf32, #tpu.memory_space<vmem>>) dst(%dma_wait3A_328 : memref<100x64xf32, #tpu.memory_space<hbm>>)
      } else {
      }
      %scan3A_187 = arith.constant 0 : i32
      %scan3A_188 = arith.constant 0 : i32
      %scan3A_189 = arith.constant 100 : i32
      %scan3A_190 = arith.addi %scan3A_188, %scan3A_189 : i32
      %scan3A_191 = arith.constant 1 : i32
      scf.for %scan3A_318 = %scan3A_188 to %scan3A_190 step %scan3A_191  : i32 {
        %get3A = arith.constant 1 : i32
        %get3A_319 = arith.index_cast %get3A : i32 to index
        %get3A_320 = arith.index_cast %scan3A_318 : i32 to index
        %get3A_321 = arith.constant 0 : index
        %get3A_322 = tpu.vector_load %arg6[%get3A_319, %get3A_320, %get3A_321] {strides = array<i32>} : memref<4x100x64xf32, #tpu.memory_space<vmem>>, vector<1x1x16xf32>,
        %get3A_323 = vector.shape_cast %get3A_322 : vector<1x1x16xf32> to vector<16xf32>
        %mul3A_324 = arith.constant 8.000000e+00 : f32
        %mul3A_325 = vector.broadcast %mul3A_324 : f32 to vector<16xf32>
        %mul3A_326 = arith.mulf %get3A_323, %mul3A_325 : vector<16xf32>
        %swap3A = arith.constant 1 : i32
        %swap3A_327 = arith.index_cast %swap3A : i32 to index
        %swap3A_328 = arith.index_cast %scan3A_318 : i32 to index
        %swap3A_329 = arith.constant 0 : index
        %swap3A_330 = tpu.vector_load %arg7[%swap3A_327, %swap3A_328, %swap3A_329] {strides = array<i32>} : memref<4x100x64xf32, #tpu.memory_space<vmem>>, vector<1x1x16xf32>,
        %swap3A_331 = vector.shape_cast %swap3A_330 : vector<1x1x16xf32> to vector<16xf32>
        %swap3A_332 = vector.shape_cast %mul3A_326 : vector<16xf32> to vector<1x1x16xf32>
        tpu.vector_store %arg7[%swap3A_327, %swap3A_328, %swap3A_329], %swap3A_332 {strides = array<i32>} : memref<4x100x64xf32, #tpu.memory_space<vmem>>, vector<1x1x16xf32>,
        %get3A_333 = arith.constant 1 : i32
        %get3A_334 = arith.index_cast %get3A_333 : i32 to index
        %get3A_335 = arith.index_cast %scan3A_318 : i32 to index
        %get3A_336 = arith.constant 16 : index
        %get3A_337 = tpu.vector_load %arg6[%get3A_334, %get3A_335, %get3A_336] {strides = array<i32>} : memref<4x100x64xf32, #tpu.memory_space<vmem>>, vector<1x1x16xf32>,
        %get3A_338 = vector.shape_cast %get3A_337 : vector<1x1x16xf32> to vector<16xf32>
        %mul3A_339 = arith.constant 8.000000e+00 : f32
        %mul3A_340 = vector.broadcast %mul3A_339 : f32 to vector<16xf32>
        %mul3A_341 = arith.mulf %get3A_338, %mul3A_340 : vector<16xf32>
        %swap3A_342 = arith.constant 1 : i32
        %swap3A_343 = arith.index_cast %swap3A_342 : i32 to index
        %swap3A_344 = arith.index_cast %scan3A_318 : i32 to index
        %swap3A_345 = arith.constant 16 : index
        %swap3A_346 = tpu.vector_load %arg7[%swap3A_343, %swap3A_344, %swap3A_345] {strides = array<i32>} : memref<4x100x64xf32, #tpu.memory_space<vmem>>, vector<1x1x16xf32>,
        %swap3A_347 = vector.shape_cast %swap3A_346 : vector<1x1x16xf32> to vector<16xf32>
        %swap3A_348 = vector.shape_cast %mul3A_341 : vector<16xf32> to vector<1x1x16xf32>
        tpu.vector_store %arg7[%swap3A_343, %swap3A_344, %swap3A_345], %swap3A_348 {strides = array<i32>} : memref<4x100x64xf32, #tpu.memory_space<vmem>>, vector<1x1x16xf32>,
        %get3A_349 = arith.constant 1 : i32
        %get3A_350 = arith.index_cast %get3A_349 : i32 to index
        %get3A_351 = arith.index_cast %scan3A_318 : i32 to index
        %get3A_352 = arith.constant 32 : index
        %get3A_353 = tpu.vector_load %arg6[%get3A_350, %get3A_351, %get3A_352] {strides = array<i32>} : memref<4x100x64xf32, #tpu.memory_space<vmem>>, vector<1x1x16xf32>,
        %get3A_354 = vector.shape_cast %get3A_353 : vector<1x1x16xf32> to vector<16xf32>
        %mul3A_355 = arith.constant 8.000000e+00 : f32
        %mul3A_356 = vector.broadcast %mul3A_355 : f32 to vector<16xf32>
        %mul3A_357 = arith.mulf %get3A_354, %mul3A_356 : vector<16xf32>
        %swap3A_358 = arith.constant 1 : i32
        %swap3A_359 = arith.index_cast %swap3A_358 : i32 to index
        %swap3A_360 = arith.index_cast %scan3A_318 : i32 to index
        %swap3A_361 = arith.constant 32 : index
        %swap3A_362 = tpu.vector_load %arg7[%swap3A_359, %swap3A_360, %swap3A_361] {strides = array<i32>} : memref<4x100x64xf32, #tpu.memory_space<vmem>>, vector<1x1x16xf32>,
        %swap3A_363 = vector.shape_cast %swap3A_362 : vector<1x1x16xf32> to vector<16xf32>
        %swap3A_364 = vector.shape_cast %mul3A_357 : vector<16xf32> to vector<1x1x16xf32>
        tpu.vector_store %arg7[%swap3A_359, %swap3A_360, %swap3A_361], %swap3A_364 {strides = array<i32>} : memref<4x100x64xf32, #tpu.memory_space<vmem>>, vector<1x1x16xf32>,
        %get3A_365 = arith.constant 1 : i32
        %get3A_366 = arith.index_cast %get3A_365 : i32 to index
        %get3A_367 = arith.index_cast %scan3A_318 : i32 to index
        %get3A_368 = arith.constant 48 : index
        %get3A_369 = tpu.vector_load %arg6[%get3A_366, %get3A_367, %get3A_368] {strides = array<i32>} : memref<4x100x64xf32, #tpu.memory_space<vmem>>, vector<1x1x16xf32>,
        %get3A_370 = vector.shape_cast %get3A_369 : vector<1x1x16xf32> to vector<16xf32>
        %mul3A_371 = arith.constant 8.000000e+00 : f32
        %mul3A_372 = vector.broadcast %mul3A_371 : f32 to vector<16xf32>
        %mul3A_373 = arith.mulf %get3A_370, %mul3A_372 : vector<16xf32>
        %swap3A_374 = arith.constant 1 : i32
        %swap3A_375 = arith.index_cast %swap3A_374 : i32 to index
        %swap3A_376 = arith.index_cast %scan3A_318 : i32 to index
        %swap3A_377 = arith.constant 48 : index
        %swap3A_378 = tpu.vector_load %arg7[%swap3A_375, %swap3A_376, %swap3A_377] {strides = array<i32>} : memref<4x100x64xf32, #tpu.memory_space<vmem>>, vector<1x1x16xf32>,
        %swap3A_379 = vector.shape_cast %swap3A_378 : vector<1x1x16xf32> to vector<16xf32>
        %swap3A_380 = vector.shape_cast %mul3A_373 : vector<16xf32> to vector<1x1x16xf32>
        tpu.vector_store %arg7[%swap3A_375, %swap3A_376, %swap3A_377], %swap3A_380 {strides = array<i32>} : memref<4x100x64xf32, #tpu.memory_space<vmem>>, vector<1x1x16xf32>,
      }
      %scan3A_192 = arith.constant 100 : i32
      %add3A_193 = arith.constant 4 : i32
      %add3A_194 = arith.addi %add3A_166, %add3A_193 : i32
      %lt3A_195 = arith.constant 256 : i32
      %lt3A_196 = arith.cmpi slt, %add3A_194, %lt3A_195 : i32
      %convert_element_type3A_197 = arith.extui %lt3A_196 : i1 to i32
      %cond3A_198 = arith.constant 0 : i32
      %cond3A_199 = arith.cmpi ne, %convert_element_type3A_197, %cond3A_198 : i32
      scf.if %cond3A_199 {
        %add3A_318 = arith.constant 4 : i32
        %add3A_319 = arith.addi %add3A_166, %add3A_318 : i32
        %dma_start3A_320 = arith.constant 1 : i32
        %dma_start3A_321 = arith.constant 0 : i32
        %dma_start3A_322 = arith.constant 0 : i32
        %dma_start3A_323 = tpu.memref_slice %arg6[%dma_start3A_320, %dma_start3A_321, %dma_start3A_322] : memref<4x100x64xf32, #tpu.memory_space<vmem>> -> memref<1x100x64xf32, #tpu.memory_space<vmem>>
        %dma_start3A_324 = tpu.memref_squeeze %dma_start3A_323 : memref<1x100x64xf32, #tpu.memory_space<vmem>> -> memref<100x64xf32, #tpu.memory_space<vmem>>
        %dma_start3A_325 = arith.constant 0 : i32
        %dma_start3A_326 = tpu.memref_slice %arg5[%add3A_319, %dma_start3A_325] : memref<256x100xi32, #tpu.memory_space<vmem>> -> memref<1x100xi32, #tpu.memory_space<vmem>>
        %dma_start3A_327 = tpu.memref_squeeze %dma_start3A_326 : memref<1x100xi32, #tpu.memory_space<vmem>> -> memref<100xi32, #tpu.memory_space<vmem>>
        %dma_start3A_328 = arith.constant 0 : i32
        %dma_start3A_329 = arith.constant 0 : i32
        %dma_start3A_330 = tpu.memref_slice %arg3[%dma_start3A_328, %dma_start3A_329] : memref<1000000x64xf32, #tpu.memory_space<hbm>> -> memref<1000000x64xf32, #tpu.memory_space<hbm>>
        tpu.enqueue_indirect_dma source(%dma_start3A_330 : memref<1000000x64xf32, #tpu.memory_space<hbm>>) target(%dma_start3A_324 : memref<100x64xf32, #tpu.memory_space<vmem>>) offsets(%dma_start3A_327 : memref<100xi32, #tpu.memory_space<vmem>>) semaphore(%arg9 : memref<!tpu.dma_semaphore, #tpu.memory_space<semaphore_mem>>)
      } else {
      }
      %add3A_200 = arith.addi %mul3A_2, %add3A_166 : i32
      %mul3A_201 = arith.constant 100 : i32
      %mul3A_202 = arith.muli %add3A_200, %mul3A_201 : i32
      %dma_start3A_203 = arith.constant 1 : i32
      %dma_start3A_204 = arith.constant 0 : i32
      %dma_start3A_205 = arith.constant 0 : i32
      %dma_start3A_206 = tpu.memref_slice %arg7[%dma_start3A_203, %dma_start3A_204, %dma_start3A_205] : memref<4x100x64xf32, #tpu.memory_space<vmem>> -> memref<1x100x64xf32, #tpu.memory_space<vmem>>
      %dma_start3A_207 = tpu.memref_squeeze %dma_start3A_206 : memref<1x100x64xf32, #tpu.memory_space<vmem>> -> memref<100x64xf32, #tpu.memory_space<vmem>>
      %dma_start3A_208 = arith.constant 0 : i32
      %dma_start3A_209 = tpu.memref_slice %arg4[%mul3A_202, %dma_start3A_208] : memref<819200x128xf32, #tpu.memory_space<hbm>> -> memref<100x64xf32, #tpu.memory_space<hbm>>
      %dma_start3A_210 = arith.constant 0 : i32
      %dma_start3A_211 = tpu.memref_slice %arg4[%mul3A_202, %dma_start3A_210] : memref<819200x128xf32, #tpu.memory_space<hbm>> -> memref<100x64xf32, #tpu.memory_space<hbm>>
      %dma_start3A_212 = arith.constant 0 : i32
      %dma_start3A_213 = arith.constant 0 : i32
      %dma_start3A_214 = tpu.memref_slice %arg7[%dma_start3A_203, %dma_start3A_212, %dma_start3A_213] : memref<4x100x64xf32, #tpu.memory_space<vmem>> -> memref<1x100x64xf32, #tpu.memory_space<vmem>>
      %dma_start3A_215 = tpu.memref_squeeze %dma_start3A_214 : memref<1x100x64xf32, #tpu.memory_space<vmem>> -> memref<100x64xf32, #tpu.memory_space<vmem>>
      tpu.enqueue_dma source(%dma_start3A_215 : memref<100x64xf32, #tpu.memory_space<vmem>>) target(%dma_start3A_211 : memref<100x64xf32, #tpu.memory_space<hbm>>) target_semaphore(%arg13 : memref<!tpu.dma_semaphore, #tpu.memory_space<semaphore_mem>>)
      %add3A_216 = arith.constant 2 : i32
      %add3A_217 = arith.addi %add3A_117, %add3A_216 : i32
      %dma_wait3A_218 = arith.constant 2 : i32
      %dma_wait3A_219 = arith.constant 0 : i32
      %dma_wait3A_220 = arith.constant 0 : i32
      %dma_wait3A_221 = tpu.memref_slice %arg6[%dma_wait3A_218, %dma_wait3A_219, %dma_wait3A_220] : memref<4x100x64xf32, #tpu.memory_space<vmem>> -> memref<1x100x64xf32, #tpu.memory_space<vmem>>
      %dma_wait3A_222 = tpu.memref_squeeze %dma_wait3A_221 : memref<1x100x64xf32, #tpu.memory_space<vmem>> -> memref<100x64xf32, #tpu.memory_space<vmem>>
      %dma_wait3A_223 = arith.constant 0 : i32
      %dma_wait3A_224 = arith.constant 0 : i32
      %dma_wait3A_225 = tpu.memref_slice %arg3[%dma_wait3A_223, %dma_wait3A_224] : memref<1000000x64xf32, #tpu.memory_space<hbm>> -> memref<100x64xf32, #tpu.memory_space<hbm>>
      %dma_wait3A_226 = arith.constant 0 : i32
      %dma_wait3A_227 = arith.constant 0 : i32
      %dma_wait3A_228 = tpu.memref_slice %arg6[%dma_wait3A_218, %dma_wait3A_226, %dma_wait3A_227] : memref<4x100x64xf32, #tpu.memory_space<vmem>> -> memref<1x100x64xf32, #tpu.memory_space<vmem>>
      %dma_wait3A_229 = tpu.memref_squeeze %dma_wait3A_228 : memref<1x100x64xf32, #tpu.memory_space<vmem>> -> memref<100x64xf32, #tpu.memory_space<vmem>>
      %dma_wait3A_230 = arith.constant 0 : i32
      %dma_wait3A_231 = arith.constant 0 : i32
      %dma_wait3A_232 = tpu.memref_slice %arg3[%dma_wait3A_230, %dma_wait3A_231] : memref<1000000x64xf32, #tpu.memory_space<hbm>> -> memref<100x64xf32, #tpu.memory_space<hbm>>
      tpu.wait_dma2 semaphore(%arg10 : memref<!tpu.dma_semaphore, #tpu.memory_space<semaphore_mem>>) src(%dma_wait3A_232 : memref<100x64xf32, #tpu.memory_space<hbm>>) dst(%dma_wait3A_229 : memref<100x64xf32, #tpu.memory_space<vmem>>)
      %gt3A_233 = arith.constant 0 : i32
      %gt3A_234 = arith.cmpi sgt, %add3A_117, %gt3A_233 : i32
      %convert_element_type3A_235 = arith.extui %gt3A_234 : i1 to i32
      %cond3A_236 = arith.constant 0 : i32
      %cond3A_237 = arith.cmpi ne, %convert_element_type3A_235, %cond3A_236 : i32
      scf.if %cond3A_237 {
        %dma_wait3A_318 = arith.constant 2 : i32
        %dma_wait3A_319 = arith.constant 0 : i32
        %dma_wait3A_320 = arith.constant 0 : i32
        %dma_wait3A_321 = tpu.memref_slice %arg7[%dma_wait3A_318, %dma_wait3A_319, %dma_wait3A_320] : memref<4x100x64xf32, #tpu.memory_space<vmem>> -> memref<1x100x64xf32, #tpu.memory_space<vmem>>
        %dma_wait3A_322 = tpu.memref_squeeze %dma_wait3A_321 : memref<1x100x64xf32, #tpu.memory_space<vmem>> -> memref<100x64xf32, #tpu.memory_space<vmem>>
        %dma_wait3A_323 = arith.constant 0 : i32
        %dma_wait3A_324 = arith.constant 0 : i32
        %dma_wait3A_325 = tpu.memref_slice %arg4[%dma_wait3A_323, %dma_wait3A_324] : memref<819200x128xf32, #tpu.memory_space<hbm>> -> memref<100x64xf32, #tpu.memory_space<hbm>>
        %dma_wait3A_326 = arith.constant 0 : i32
        %dma_wait3A_327 = arith.constant 0 : i32
        %dma_wait3A_328 = tpu.memref_slice %arg4[%dma_wait3A_326, %dma_wait3A_327] : memref<819200x128xf32, #tpu.memory_space<hbm>> -> memref<100x64xf32, #tpu.memory_space<hbm>>
        %dma_wait3A_329 = arith.constant 0 : i32
        %dma_wait3A_330 = arith.constant 0 : i32
        %dma_wait3A_331 = tpu.memref_slice %arg7[%dma_wait3A_318, %dma_wait3A_329, %dma_wait3A_330] : memref<4x100x64xf32, #tpu.memory_space<vmem>> -> memref<1x100x64xf32, #tpu.memory_space<vmem>>
        %dma_wait3A_332 = tpu.memref_squeeze %dma_wait3A_331 : memref<1x100x64xf32, #tpu.memory_space<vmem>> -> memref<100x64xf32, #tpu.memory_space<vmem>>
        tpu.wait_dma2 semaphore(%arg14 : memref<!tpu.dma_semaphore, #tpu.memory_space<semaphore_mem>>) src(%dma_wait3A_332 : memref<100x64xf32, #tpu.memory_space<vmem>>) dst(%dma_wait3A_328 : memref<100x64xf32, #tpu.memory_space<hbm>>)
      } else {
      }
      %scan3A_238 = arith.constant 0 : i32
      %scan3A_239 = arith.constant 0 : i32
      %scan3A_240 = arith.constant 100 : i32
      %scan3A_241 = arith.addi %scan3A_239, %scan3A_240 : i32
      %scan3A_242 = arith.constant 1 : i32
      scf.for %scan3A_318 = %scan3A_239 to %scan3A_241 step %scan3A_242  : i32 {
        %get3A = arith.constant 2 : i32
        %get3A_319 = arith.index_cast %get3A : i32 to index
        %get3A_320 = arith.index_cast %scan3A_318 : i32 to index
        %get3A_321 = arith.constant 0 : index
        %get3A_322 = tpu.vector_load %arg6[%get3A_319, %get3A_320, %get3A_321] {strides = array<i32>} : memref<4x100x64xf32, #tpu.memory_space<vmem>>, vector<1x1x16xf32>,
        %get3A_323 = vector.shape_cast %get3A_322 : vector<1x1x16xf32> to vector<16xf32>
        %mul3A_324 = arith.constant 8.000000e+00 : f32
        %mul3A_325 = vector.broadcast %mul3A_324 : f32 to vector<16xf32>
        %mul3A_326 = arith.mulf %get3A_323, %mul3A_325 : vector<16xf32>
        %swap3A = arith.constant 2 : i32
        %swap3A_327 = arith.index_cast %swap3A : i32 to index
        %swap3A_328 = arith.index_cast %scan3A_318 : i32 to index
        %swap3A_329 = arith.constant 0 : index
        %swap3A_330 = tpu.vector_load %arg7[%swap3A_327, %swap3A_328, %swap3A_329] {strides = array<i32>} : memref<4x100x64xf32, #tpu.memory_space<vmem>>, vector<1x1x16xf32>,
        %swap3A_331 = vector.shape_cast %swap3A_330 : vector<1x1x16xf32> to vector<16xf32>
        %swap3A_332 = vector.shape_cast %mul3A_326 : vector<16xf32> to vector<1x1x16xf32>
        tpu.vector_store %arg7[%swap3A_327, %swap3A_328, %swap3A_329], %swap3A_332 {strides = array<i32>} : memref<4x100x64xf32, #tpu.memory_space<vmem>>, vector<1x1x16xf32>,
        %get3A_333 = arith.constant 2 : i32
        %get3A_334 = arith.index_cast %get3A_333 : i32 to index
        %get3A_335 = arith.index_cast %scan3A_318 : i32 to index
        %get3A_336 = arith.constant 16 : index
        %get3A_337 = tpu.vector_load %arg6[%get3A_334, %get3A_335, %get3A_336] {strides = array<i32>} : memref<4x100x64xf32, #tpu.memory_space<vmem>>, vector<1x1x16xf32>,
        %get3A_338 = vector.shape_cast %get3A_337 : vector<1x1x16xf32> to vector<16xf32>
        %mul3A_339 = arith.constant 8.000000e+00 : f32
        %mul3A_340 = vector.broadcast %mul3A_339 : f32 to vector<16xf32>
        %mul3A_341 = arith.mulf %get3A_338, %mul3A_340 : vector<16xf32>
        %swap3A_342 = arith.constant 2 : i32
        %swap3A_343 = arith.index_cast %swap3A_342 : i32 to index
        %swap3A_344 = arith.index_cast %scan3A_318 : i32 to index
        %swap3A_345 = arith.constant 16 : index
        %swap3A_346 = tpu.vector_load %arg7[%swap3A_343, %swap3A_344, %swap3A_345] {strides = array<i32>} : memref<4x100x64xf32, #tpu.memory_space<vmem>>, vector<1x1x16xf32>,
        %swap3A_347 = vector.shape_cast %swap3A_346 : vector<1x1x16xf32> to vector<16xf32>
        %swap3A_348 = vector.shape_cast %mul3A_341 : vector<16xf32> to vector<1x1x16xf32>
        tpu.vector_store %arg7[%swap3A_343, %swap3A_344, %swap3A_345], %swap3A_348 {strides = array<i32>} : memref<4x100x64xf32, #tpu.memory_space<vmem>>, vector<1x1x16xf32>,
        %get3A_349 = arith.constant 2 : i32
        %get3A_350 = arith.index_cast %get3A_349 : i32 to index
        %get3A_351 = arith.index_cast %scan3A_318 : i32 to index
        %get3A_352 = arith.constant 32 : index
        %get3A_353 = tpu.vector_load %arg6[%get3A_350, %get3A_351, %get3A_352] {strides = array<i32>} : memref<4x100x64xf32, #tpu.memory_space<vmem>>, vector<1x1x16xf32>,
        %get3A_354 = vector.shape_cast %get3A_353 : vector<1x1x16xf32> to vector<16xf32>
        %mul3A_355 = arith.constant 8.000000e+00 : f32
        %mul3A_356 = vector.broadcast %mul3A_355 : f32 to vector<16xf32>
        %mul3A_357 = arith.mulf %get3A_354, %mul3A_356 : vector<16xf32>
        %swap3A_358 = arith.constant 2 : i32
        %swap3A_359 = arith.index_cast %swap3A_358 : i32 to index
        %swap3A_360 = arith.index_cast %scan3A_318 : i32 to index
        %swap3A_361 = arith.constant 32 : index
        %swap3A_362 = tpu.vector_load %arg7[%swap3A_359, %swap3A_360, %swap3A_361] {strides = array<i32>} : memref<4x100x64xf32, #tpu.memory_space<vmem>>, vector<1x1x16xf32>,
        %swap3A_363 = vector.shape_cast %swap3A_362 : vector<1x1x16xf32> to vector<16xf32>
        %swap3A_364 = vector.shape_cast %mul3A_357 : vector<16xf32> to vector<1x1x16xf32>
        tpu.vector_store %arg7[%swap3A_359, %swap3A_360, %swap3A_361], %swap3A_364 {strides = array<i32>} : memref<4x100x64xf32, #tpu.memory_space<vmem>>, vector<1x1x16xf32>,
        %get3A_365 = arith.constant 2 : i32
        %get3A_366 = arith.index_cast %get3A_365 : i32 to index
        %get3A_367 = arith.index_cast %scan3A_318 : i32 to index
        %get3A_368 = arith.constant 48 : index
        %get3A_369 = tpu.vector_load %arg6[%get3A_366, %get3A_367, %get3A_368] {strides = array<i32>} : memref<4x100x64xf32, #tpu.memory_space<vmem>>, vector<1x1x16xf32>,
        %get3A_370 = vector.shape_cast %get3A_369 : vector<1x1x16xf32> to vector<16xf32>
        %mul3A_371 = arith.constant 8.000000e+00 : f32
        %mul3A_372 = vector.broadcast %mul3A_371 : f32 to vector<16xf32>
        %mul3A_373 = arith.mulf %get3A_370, %mul3A_372 : vector<16xf32>
        %swap3A_374 = arith.constant 2 : i32
        %swap3A_375 = arith.index_cast %swap3A_374 : i32 to index
        %swap3A_376 = arith.index_cast %scan3A_318 : i32 to index
        %swap3A_377 = arith.constant 48 : index
        %swap3A_378 = tpu.vector_load %arg7[%swap3A_375, %swap3A_376, %swap3A_377] {strides = array<i32>} : memref<4x100x64xf32, #tpu.memory_space<vmem>>, vector<1x1x16xf32>,
        %swap3A_379 = vector.shape_cast %swap3A_378 : vector<1x1x16xf32> to vector<16xf32>
        %swap3A_380 = vector.shape_cast %mul3A_373 : vector<16xf32> to vector<1x1x16xf32>
        tpu.vector_store %arg7[%swap3A_375, %swap3A_376, %swap3A_377], %swap3A_380 {strides = array<i32>} : memref<4x100x64xf32, #tpu.memory_space<vmem>>, vector<1x1x16xf32>,
      }
      %scan3A_243 = arith.constant 100 : i32
      %add3A_244 = arith.constant 4 : i32
      %add3A_245 = arith.addi %add3A_217, %add3A_244 : i32
      %lt3A_246 = arith.constant 256 : i32
      %lt3A_247 = arith.cmpi slt, %add3A_245, %lt3A_246 : i32
      %convert_element_type3A_248 = arith.extui %lt3A_247 : i1 to i32
      %cond3A_249 = arith.constant 0 : i32
      %cond3A_250 = arith.cmpi ne, %convert_element_type3A_248, %cond3A_249 : i32
      scf.if %cond3A_250 {
        %add3A_318 = arith.constant 4 : i32
        %add3A_319 = arith.addi %add3A_217, %add3A_318 : i32
        %dma_start3A_320 = arith.constant 2 : i32
        %dma_start3A_321 = arith.constant 0 : i32
        %dma_start3A_322 = arith.constant 0 : i32
        %dma_start3A_323 = tpu.memref_slice %arg6[%dma_start3A_320, %dma_start3A_321, %dma_start3A_322] : memref<4x100x64xf32, #tpu.memory_space<vmem>> -> memref<1x100x64xf32, #tpu.memory_space<vmem>>
        %dma_start3A_324 = tpu.memref_squeeze %dma_start3A_323 : memref<1x100x64xf32, #tpu.memory_space<vmem>> -> memref<100x64xf32, #tpu.memory_space<vmem>>
        %dma_start3A_325 = arith.constant 0 : i32
        %dma_start3A_326 = tpu.memref_slice %arg5[%add3A_319, %dma_start3A_325] : memref<256x100xi32, #tpu.memory_space<vmem>> -> memref<1x100xi32, #tpu.memory_space<vmem>>
        %dma_start3A_327 = tpu.memref_squeeze %dma_start3A_326 : memref<1x100xi32, #tpu.memory_space<vmem>> -> memref<100xi32, #tpu.memory_space<vmem>>
        %dma_start3A_328 = arith.constant 0 : i32
        %dma_start3A_329 = arith.constant 0 : i32
        %dma_start3A_330 = tpu.memref_slice %arg3[%dma_start3A_328, %dma_start3A_329] : memref<1000000x64xf32, #tpu.memory_space<hbm>> -> memref<1000000x64xf32, #tpu.memory_space<hbm>>
        tpu.enqueue_indirect_dma source(%dma_start3A_330 : memref<1000000x64xf32, #tpu.memory_space<hbm>>) target(%dma_start3A_324 : memref<100x64xf32, #tpu.memory_space<vmem>>) offsets(%dma_start3A_327 : memref<100xi32, #tpu.memory_space<vmem>>) semaphore(%arg10 : memref<!tpu.dma_semaphore, #tpu.memory_space<semaphore_mem>>)
      } else {
      }
      %add3A_251 = arith.addi %mul3A_2, %add3A_217 : i32
      %mul3A_252 = arith.constant 100 : i32
      %mul3A_253 = arith.muli %add3A_251, %mul3A_252 : i32
      %dma_start3A_254 = arith.constant 2 : i32
      %dma_start3A_255 = arith.constant 0 : i32
      %dma_start3A_256 = arith.constant 0 : i32
      %dma_start3A_257 = tpu.memref_slice %arg7[%dma_start3A_254, %dma_start3A_255, %dma_start3A_256] : memref<4x100x64xf32, #tpu.memory_space<vmem>> -> memref<1x100x64xf32, #tpu.memory_space<vmem>>
      %dma_start3A_258 = tpu.memref_squeeze %dma_start3A_257 : memref<1x100x64xf32, #tpu.memory_space<vmem>> -> memref<100x64xf32, #tpu.memory_space<vmem>>
      %dma_start3A_259 = arith.constant 0 : i32
      %dma_start3A_260 = tpu.memref_slice %arg4[%mul3A_253, %dma_start3A_259] : memref<819200x128xf32, #tpu.memory_space<hbm>> -> memref<100x64xf32, #tpu.memory_space<hbm>>
      %dma_start3A_261 = arith.constant 0 : i32
      %dma_start3A_262 = tpu.memref_slice %arg4[%mul3A_253, %dma_start3A_261] : memref<819200x128xf32, #tpu.memory_space<hbm>> -> memref<100x64xf32, #tpu.memory_space<hbm>>
      %dma_start3A_263 = arith.constant 0 : i32
      %dma_start3A_264 = arith.constant 0 : i32
      %dma_start3A_265 = tpu.memref_slice %arg7[%dma_start3A_254, %dma_start3A_263, %dma_start3A_264] : memref<4x100x64xf32, #tpu.memory_space<vmem>> -> memref<1x100x64xf32, #tpu.memory_space<vmem>>
      %dma_start3A_266 = tpu.memref_squeeze %dma_start3A_265 : memref<1x100x64xf32, #tpu.memory_space<vmem>> -> memref<100x64xf32, #tpu.memory_space<vmem>>
      tpu.enqueue_dma source(%dma_start3A_266 : memref<100x64xf32, #tpu.memory_space<vmem>>) target(%dma_start3A_262 : memref<100x64xf32, #tpu.memory_space<hbm>>) target_semaphore(%arg14 : memref<!tpu.dma_semaphore, #tpu.memory_space<semaphore_mem>>)
      %add3A_267 = arith.constant 3 : i32
      %add3A_268 = arith.addi %add3A_117, %add3A_267 : i32
      %dma_wait3A_269 = arith.constant 3 : i32
      %dma_wait3A_270 = arith.constant 0 : i32
      %dma_wait3A_271 = arith.constant 0 : i32
      %dma_wait3A_272 = tpu.memref_slice %arg6[%dma_wait3A_269, %dma_wait3A_270, %dma_wait3A_271] : memref<4x100x64xf32, #tpu.memory_space<vmem>> -> memref<1x100x64xf32, #tpu.memory_space<vmem>>
      %dma_wait3A_273 = tpu.memref_squeeze %dma_wait3A_272 : memref<1x100x64xf32, #tpu.memory_space<vmem>> -> memref<100x64xf32, #tpu.memory_space<vmem>>
      %dma_wait3A_274 = arith.constant 0 : i32
      %dma_wait3A_275 = arith.constant 0 : i32
      %dma_wait3A_276 = tpu.memref_slice %arg3[%dma_wait3A_274, %dma_wait3A_275] : memref<1000000x64xf32, #tpu.memory_space<hbm>> -> memref<100x64xf32, #tpu.memory_space<hbm>>
      %dma_wait3A_277 = arith.constant 0 : i32
      %dma_wait3A_278 = arith.constant 0 : i32
      %dma_wait3A_279 = tpu.memref_slice %arg6[%dma_wait3A_269, %dma_wait3A_277, %dma_wait3A_278] : memref<4x100x64xf32, #tpu.memory_space<vmem>> -> memref<1x100x64xf32, #tpu.memory_space<vmem>>
      %dma_wait3A_280 = tpu.memref_squeeze %dma_wait3A_279 : memref<1x100x64xf32, #tpu.memory_space<vmem>> -> memref<100x64xf32, #tpu.memory_space<vmem>>
      %dma_wait3A_281 = arith.constant 0 : i32
      %dma_wait3A_282 = arith.constant 0 : i32
      %dma_wait3A_283 = tpu.memref_slice %arg3[%dma_wait3A_281, %dma_wait3A_282] : memref<1000000x64xf32, #tpu.memory_space<hbm>> -> memref<100x64xf32, #tpu.memory_space<hbm>>
      tpu.wait_dma2 semaphore(%arg11 : memref<!tpu.dma_semaphore, #tpu.memory_space<semaphore_mem>>) src(%dma_wait3A_283 : memref<100x64xf32, #tpu.memory_space<hbm>>) dst(%dma_wait3A_280 : memref<100x64xf32, #tpu.memory_space<vmem>>)
      %gt3A_284 = arith.constant 0 : i32
      %gt3A_285 = arith.cmpi sgt, %add3A_117, %gt3A_284 : i32
      %convert_element_type3A_286 = arith.extui %gt3A_285 : i1 to i32
      %cond3A_287 = arith.constant 0 : i32
      %cond3A_288 = arith.cmpi ne, %convert_element_type3A_286, %cond3A_287 : i32
      scf.if %cond3A_288 {
        %dma_wait3A_318 = arith.constant 3 : i32
        %dma_wait3A_319 = arith.constant 0 : i32
        %dma_wait3A_320 = arith.constant 0 : i32
        %dma_wait3A_321 = tpu.memref_slice %arg7[%dma_wait3A_318, %dma_wait3A_319, %dma_wait3A_320] : memref<4x100x64xf32, #tpu.memory_space<vmem>> -> memref<1x100x64xf32, #tpu.memory_space<vmem>>
        %dma_wait3A_322 = tpu.memref_squeeze %dma_wait3A_321 : memref<1x100x64xf32, #tpu.memory_space<vmem>> -> memref<100x64xf32, #tpu.memory_space<vmem>>
        %dma_wait3A_323 = arith.constant 0 : i32
        %dma_wait3A_324 = arith.constant 0 : i32
        %dma_wait3A_325 = tpu.memref_slice %arg4[%dma_wait3A_323, %dma_wait3A_324] : memref<819200x128xf32, #tpu.memory_space<hbm>> -> memref<100x64xf32, #tpu.memory_space<hbm>>
        %dma_wait3A_326 = arith.constant 0 : i32
        %dma_wait3A_327 = arith.constant 0 : i32
        %dma_wait3A_328 = tpu.memref_slice %arg4[%dma_wait3A_326, %dma_wait3A_327] : memref<819200x128xf32, #tpu.memory_space<hbm>> -> memref<100x64xf32, #tpu.memory_space<hbm>>
        %dma_wait3A_329 = arith.constant 0 : i32
        %dma_wait3A_330 = arith.constant 0 : i32
        %dma_wait3A_331 = tpu.memref_slice %arg7[%dma_wait3A_318, %dma_wait3A_329, %dma_wait3A_330] : memref<4x100x64xf32, #tpu.memory_space<vmem>> -> memref<1x100x64xf32, #tpu.memory_space<vmem>>
        %dma_wait3A_332 = tpu.memref_squeeze %dma_wait3A_331 : memref<1x100x64xf32, #tpu.memory_space<vmem>> -> memref<100x64xf32, #tpu.memory_space<vmem>>
        tpu.wait_dma2 semaphore(%arg15 : memref<!tpu.dma_semaphore, #tpu.memory_space<semaphore_mem>>) src(%dma_wait3A_332 : memref<100x64xf32, #tpu.memory_space<vmem>>) dst(%dma_wait3A_328 : memref<100x64xf32, #tpu.memory_space<hbm>>)
      } else {
      }
      %scan3A_289 = arith.constant 0 : i32
      %scan3A_290 = arith.constant 0 : i32
      %scan3A_291 = arith.constant 100 : i32
      %scan3A_292 = arith.addi %scan3A_290, %scan3A_291 : i32
      %scan3A_293 = arith.constant 1 : i32
      scf.for %scan3A_318 = %scan3A_290 to %scan3A_292 step %scan3A_293  : i32 {
        %get3A = arith.constant 3 : i32
        %get3A_319 = arith.index_cast %get3A : i32 to index
        %get3A_320 = arith.index_cast %scan3A_318 : i32 to index
        %get3A_321 = arith.constant 0 : index
        %get3A_322 = tpu.vector_load %arg6[%get3A_319, %get3A_320, %get3A_321] {strides = array<i32>} : memref<4x100x64xf32, #tpu.memory_space<vmem>>, vector<1x1x16xf32>,
        %get3A_323 = vector.shape_cast %get3A_322 : vector<1x1x16xf32> to vector<16xf32>
        %mul3A_324 = arith.constant 8.000000e+00 : f32
        %mul3A_325 = vector.broadcast %mul3A_324 : f32 to vector<16xf32>
        %mul3A_326 = arith.mulf %get3A_323, %mul3A_325 : vector<16xf32>
        %swap3A = arith.constant 3 : i32
        %swap3A_327 = arith.index_cast %swap3A : i32 to index
        %swap3A_328 = arith.index_cast %scan3A_318 : i32 to index
        %swap3A_329 = arith.constant 0 : index
        %swap3A_330 = tpu.vector_load %arg7[%swap3A_327, %swap3A_328, %swap3A_329] {strides = array<i32>} : memref<4x100x64xf32, #tpu.memory_space<vmem>>, vector<1x1x16xf32>,
        %swap3A_331 = vector.shape_cast %swap3A_330 : vector<1x1x16xf32> to vector<16xf32>
        %swap3A_332 = vector.shape_cast %mul3A_326 : vector<16xf32> to vector<1x1x16xf32>
        tpu.vector_store %arg7[%swap3A_327, %swap3A_328, %swap3A_329], %swap3A_332 {strides = array<i32>} : memref<4x100x64xf32, #tpu.memory_space<vmem>>, vector<1x1x16xf32>,
        %get3A_333 = arith.constant 3 : i32
        %get3A_334 = arith.index_cast %get3A_333 : i32 to index
        %get3A_335 = arith.index_cast %scan3A_318 : i32 to index
        %get3A_336 = arith.constant 16 : index
        %get3A_337 = tpu.vector_load %arg6[%get3A_334, %get3A_335, %get3A_336] {strides = array<i32>} : memref<4x100x64xf32, #tpu.memory_space<vmem>>, vector<1x1x16xf32>,
        %get3A_338 = vector.shape_cast %get3A_337 : vector<1x1x16xf32> to vector<16xf32>
        %mul3A_339 = arith.constant 8.000000e+00 : f32
        %mul3A_340 = vector.broadcast %mul3A_339 : f32 to vector<16xf32>
        %mul3A_341 = arith.mulf %get3A_338, %mul3A_340 : vector<16xf32>
        %swap3A_342 = arith.constant 3 : i32
        %swap3A_343 = arith.index_cast %swap3A_342 : i32 to index
        %swap3A_344 = arith.index_cast %scan3A_318 : i32 to index
        %swap3A_345 = arith.constant 16 : index
        %swap3A_346 = tpu.vector_load %arg7[%swap3A_343, %swap3A_344, %swap3A_345] {strides = array<i32>} : memref<4x100x64xf32, #tpu.memory_space<vmem>>, vector<1x1x16xf32>,
        %swap3A_347 = vector.shape_cast %swap3A_346 : vector<1x1x16xf32> to vector<16xf32>
        %swap3A_348 = vector.shape_cast %mul3A_341 : vector<16xf32> to vector<1x1x16xf32>
        tpu.vector_store %arg7[%swap3A_343, %swap3A_344, %swap3A_345], %swap3A_348 {strides = array<i32>} : memref<4x100x64xf32, #tpu.memory_space<vmem>>, vector<1x1x16xf32>,
        %get3A_349 = arith.constant 3 : i32
        %get3A_350 = arith.index_cast %get3A_349 : i32 to index
        %get3A_351 = arith.index_cast %scan3A_318 : i32 to index
        %get3A_352 = arith.constant 32 : index
        %get3A_353 = tpu.vector_load %arg6[%get3A_350, %get3A_351, %get3A_352] {strides = array<i32>} : memref<4x100x64xf32, #tpu.memory_space<vmem>>, vector<1x1x16xf32>,
        %get3A_354 = vector.shape_cast %get3A_353 : vector<1x1x16xf32> to vector<16xf32>
        %mul3A_355 = arith.constant 8.000000e+00 : f32
        %mul3A_356 = vector.broadcast %mul3A_355 : f32 to vector<16xf32>
        %mul3A_357 = arith.mulf %get3A_354, %mul3A_356 : vector<16xf32>
        %swap3A_358 = arith.constant 3 : i32
        %swap3A_359 = arith.index_cast %swap3A_358 : i32 to index
        %swap3A_360 = arith.index_cast %scan3A_318 : i32 to index
        %swap3A_361 = arith.constant 32 : index
        %swap3A_362 = tpu.vector_load %arg7[%swap3A_359, %swap3A_360, %swap3A_361] {strides = array<i32>} : memref<4x100x64xf32, #tpu.memory_space<vmem>>, vector<1x1x16xf32>,
        %swap3A_363 = vector.shape_cast %swap3A_362 : vector<1x1x16xf32> to vector<16xf32>
        %swap3A_364 = vector.shape_cast %mul3A_357 : vector<16xf32> to vector<1x1x16xf32>
        tpu.vector_store %arg7[%swap3A_359, %swap3A_360, %swap3A_361], %swap3A_364 {strides = array<i32>} : memref<4x100x64xf32, #tpu.memory_space<vmem>>, vector<1x1x16xf32>,
        %get3A_365 = arith.constant 3 : i32
        %get3A_366 = arith.index_cast %get3A_365 : i32 to index
        %get3A_367 = arith.index_cast %scan3A_318 : i32 to index
        %get3A_368 = arith.constant 48 : index
        %get3A_369 = tpu.vector_load %arg6[%get3A_366, %get3A_367, %get3A_368] {strides = array<i32>} : memref<4x100x64xf32, #tpu.memory_space<vmem>>, vector<1x1x16xf32>,
        %get3A_370 = vector.shape_cast %get3A_369 : vector<1x1x16xf32> to vector<16xf32>
        %mul3A_371 = arith.constant 8.000000e+00 : f32
        %mul3A_372 = vector.broadcast %mul3A_371 : f32 to vector<16xf32>
        %mul3A_373 = arith.mulf %get3A_370, %mul3A_372 : vector<16xf32>
        %swap3A_374 = arith.constant 3 : i32
        %swap3A_375 = arith.index_cast %swap3A_374 : i32 to index
        %swap3A_376 = arith.index_cast %scan3A_318 : i32 to index
        %swap3A_377 = arith.constant 48 : index
        %swap3A_378 = tpu.vector_load %arg7[%swap3A_375, %swap3A_376, %swap3A_377] {strides = array<i32>} : memref<4x100x64xf32, #tpu.memory_space<vmem>>, vector<1x1x16xf32>,
        %swap3A_379 = vector.shape_cast %swap3A_378 : vector<1x1x16xf32> to vector<16xf32>
        %swap3A_380 = vector.shape_cast %mul3A_373 : vector<16xf32> to vector<1x1x16xf32>
        tpu.vector_store %arg7[%swap3A_375, %swap3A_376, %swap3A_377], %swap3A_380 {strides = array<i32>} : memref<4x100x64xf32, #tpu.memory_space<vmem>>, vector<1x1x16xf32>,
      }
      %scan3A_294 = arith.constant 100 : i32
      %add3A_295 = arith.constant 4 : i32
      %add3A_296 = arith.addi %add3A_268, %add3A_295 : i32
      %lt3A_297 = arith.constant 256 : i32
      %lt3A_298 = arith.cmpi slt, %add3A_296, %lt3A_297 : i32
      %convert_element_type3A_299 = arith.extui %lt3A_298 : i1 to i32
      %cond3A_300 = arith.constant 0 : i32
      %cond3A_301 = arith.cmpi ne, %convert_element_type3A_299, %cond3A_300 : i32
      scf.if %cond3A_301 {
        %add3A_318 = arith.constant 4 : i32
        %add3A_319 = arith.addi %add3A_268, %add3A_318 : i32
        %dma_start3A_320 = arith.constant 3 : i32
        %dma_start3A_321 = arith.constant 0 : i32
        %dma_start3A_322 = arith.constant 0 : i32
        %dma_start3A_323 = tpu.memref_slice %arg6[%dma_start3A_320, %dma_start3A_321, %dma_start3A_322] : memref<4x100x64xf32, #tpu.memory_space<vmem>> -> memref<1x100x64xf32, #tpu.memory_space<vmem>>
        %dma_start3A_324 = tpu.memref_squeeze %dma_start3A_323 : memref<1x100x64xf32, #tpu.memory_space<vmem>> -> memref<100x64xf32, #tpu.memory_space<vmem>>
        %dma_start3A_325 = arith.constant 0 : i32
        %dma_start3A_326 = tpu.memref_slice %arg5[%add3A_319, %dma_start3A_325] : memref<256x100xi32, #tpu.memory_space<vmem>> -> memref<1x100xi32, #tpu.memory_space<vmem>>
        %dma_start3A_327 = tpu.memref_squeeze %dma_start3A_326 : memref<1x100xi32, #tpu.memory_space<vmem>> -> memref<100xi32, #tpu.memory_space<vmem>>
        %dma_start3A_328 = arith.constant 0 : i32
        %dma_start3A_329 = arith.constant 0 : i32
        %dma_start3A_330 = tpu.memref_slice %arg3[%dma_start3A_328, %dma_start3A_329] : memref<1000000x64xf32, #tpu.memory_space<hbm>> -> memref<1000000x64xf32, #tpu.memory_space<hbm>>
        tpu.enqueue_indirect_dma source(%dma_start3A_330 : memref<1000000x64xf32, #tpu.memory_space<hbm>>) target(%dma_start3A_324 : memref<100x64xf32, #tpu.memory_space<vmem>>) offsets(%dma_start3A_327 : memref<100xi32, #tpu.memory_space<vmem>>) semaphore(%arg11 : memref<!tpu.dma_semaphore, #tpu.memory_space<semaphore_mem>>)
      } else {
      }
      %add3A_302 = arith.addi %mul3A_2, %add3A_268 : i32
      %mul3A_303 = arith.constant 100 : i32
      %mul3A_304 = arith.muli %add3A_302, %mul3A_303 : i32
      %dma_start3A_305 = arith.constant 3 : i32
      %dma_start3A_306 = arith.constant 0 : i32
      %dma_start3A_307 = arith.constant 0 : i32
      %dma_start3A_308 = tpu.memref_slice %arg7[%dma_start3A_305, %dma_start3A_306, %dma_start3A_307] : memref<4x100x64xf32, #tpu.memory_space<vmem>> -> memref<1x100x64xf32, #tpu.memory_space<vmem>>
      %dma_start3A_309 = tpu.memref_squeeze %dma_start3A_308 : memref<1x100x64xf32, #tpu.memory_space<vmem>> -> memref<100x64xf32, #tpu.memory_space<vmem>>
      %dma_start3A_310 = arith.constant 0 : i32
      %dma_start3A_311 = tpu.memref_slice %arg4[%mul3A_304, %dma_start3A_310] : memref<819200x128xf32, #tpu.memory_space<hbm>> -> memref<100x64xf32, #tpu.memory_space<hbm>>
      %dma_start3A_312 = arith.constant 0 : i32
      %dma_start3A_313 = tpu.memref_slice %arg4[%mul3A_304, %dma_start3A_312] : memref<819200x128xf32, #tpu.memory_space<hbm>> -> memref<100x64xf32, #tpu.memory_space<hbm>>
      %dma_start3A_314 = arith.constant 0 : i32
      %dma_start3A_315 = arith.constant 0 : i32
      %dma_start3A_316 = tpu.memref_slice %arg7[%dma_start3A_305, %dma_start3A_314, %dma_start3A_315] : memref<4x100x64xf32, #tpu.memory_space<vmem>> -> memref<1x100x64xf32, #tpu.memory_space<vmem>>
      %dma_start3A_317 = tpu.memref_squeeze %dma_start3A_316 : memref<1x100x64xf32, #tpu.memory_space<vmem>> -> memref<100x64xf32, #tpu.memory_space<vmem>>
      tpu.enqueue_dma source(%dma_start3A_317 : memref<100x64xf32, #tpu.memory_space<vmem>>) target(%dma_start3A_313 : memref<100x64xf32, #tpu.memory_space<hbm>>) target_semaphore(%arg15 : memref<!tpu.dma_semaphore, #tpu.memory_space<semaphore_mem>>)
    }
    %scan3A_53 = arith.constant 64 : i32
    %dma_wait3A = arith.constant 0 : i32
    %dma_wait3A_54 = arith.constant 0 : i32
    %dma_wait3A_55 = arith.constant 0 : i32
    %dma_wait3A_56 = tpu.memref_slice %arg7[%dma_wait3A, %dma_wait3A_54, %dma_wait3A_55] : memref<4x100x64xf32, #tpu.memory_space<vmem>> -> memref<1x100x64xf32, #tpu.memory_space<vmem>>
    %dma_wait3A_57 = tpu.memref_squeeze %dma_wait3A_56 : memref<1x100x64xf32, #tpu.memory_space<vmem>> -> memref<100x64xf32, #tpu.memory_space<vmem>>
    %dma_wait3A_58 = arith.constant 0 : i32
    %dma_wait3A_59 = arith.constant 0 : i32
    %dma_wait3A_60 = tpu.memref_slice %arg4[%dma_wait3A_58, %dma_wait3A_59] : memref<819200x128xf32, #tpu.memory_space<hbm>> -> memref<100x64xf32, #tpu.memory_space<hbm>>
    %dma_wait3A_61 = arith.constant 0 : i32
    %dma_wait3A_62 = arith.constant 0 : i32
    %dma_wait3A_63 = tpu.memref_slice %arg4[%dma_wait3A_61, %dma_wait3A_62] : memref<819200x128xf32, #tpu.memory_space<hbm>> -> memref<100x64xf32, #tpu.memory_space<hbm>>
    %dma_wait3A_64 = arith.constant 0 : i32
    %dma_wait3A_65 = arith.constant 0 : i32
    %dma_wait3A_66 = tpu.memref_slice %arg7[%dma_wait3A, %dma_wait3A_64, %dma_wait3A_65] : memref<4x100x64xf32, #tpu.memory_space<vmem>> -> memref<1x100x64xf32, #tpu.memory_space<vmem>>
    %dma_wait3A_67 = tpu.memref_squeeze %dma_wait3A_66 : memref<1x100x64xf32, #tpu.memory_space<vmem>> -> memref<100x64xf32, #tpu.memory_space<vmem>>
    tpu.wait_dma2 semaphore(%arg12 : memref<!tpu.dma_semaphore, #tpu.memory_space<semaphore_mem>>) src(%dma_wait3A_67 : memref<100x64xf32, #tpu.memory_space<vmem>>) dst(%dma_wait3A_63 : memref<100x64xf32, #tpu.memory_space<hbm>>)
    %dma_wait3A_68 = arith.constant 1 : i32
    %dma_wait3A_69 = arith.constant 0 : i32
    %dma_wait3A_70 = arith.constant 0 : i32
    %dma_wait3A_71 = tpu.memref_slice %arg7[%dma_wait3A_68, %dma_wait3A_69, %dma_wait3A_70] : memref<4x100x64xf32, #tpu.memory_space<vmem>> -> memref<1x100x64xf32, #tpu.memory_space<vmem>>
    %dma_wait3A_72 = tpu.memref_squeeze %dma_wait3A_71 : memref<1x100x64xf32, #tpu.memory_space<vmem>> -> memref<100x64xf32, #tpu.memory_space<vmem>>
    %dma_wait3A_73 = arith.constant 0 : i32
    %dma_wait3A_74 = arith.constant 0 : i32
    %dma_wait3A_75 = tpu.memref_slice %arg4[%dma_wait3A_73, %dma_wait3A_74] : memref<819200x128xf32, #tpu.memory_space<hbm>> -> memref<100x64xf32, #tpu.memory_space<hbm>>
    %dma_wait3A_76 = arith.constant 0 : i32
    %dma_wait3A_77 = arith.constant 0 : i32
    %dma_wait3A_78 = tpu.memref_slice %arg4[%dma_wait3A_76, %dma_wait3A_77] : memref<819200x128xf32, #tpu.memory_space<hbm>> -> memref<100x64xf32, #tpu.memory_space<hbm>>
    %dma_wait3A_79 = arith.constant 0 : i32
    %dma_wait3A_80 = arith.constant 0 : i32
    %dma_wait3A_81 = tpu.memref_slice %arg7[%dma_wait3A_68, %dma_wait3A_79, %dma_wait3A_80] : memref<4x100x64xf32, #tpu.memory_space<vmem>> -> memref<1x100x64xf32, #tpu.memory_space<vmem>>
    %dma_wait3A_82 = tpu.memref_squeeze %dma_wait3A_81 : memref<1x100x64xf32, #tpu.memory_space<vmem>> -> memref<100x64xf32, #tpu.memory_space<vmem>>
    tpu.wait_dma2 semaphore(%arg13 : memref<!tpu.dma_semaphore, #tpu.memory_space<semaphore_mem>>) src(%dma_wait3A_82 : memref<100x64xf32, #tpu.memory_space<vmem>>) dst(%dma_wait3A_78 : memref<100x64xf32, #tpu.memory_space<hbm>>)
    %dma_wait3A_83 = arith.constant 2 : i32
    %dma_wait3A_84 = arith.constant 0 : i32
    %dma_wait3A_85 = arith.constant 0 : i32
    %dma_wait3A_86 = tpu.memref_slice %arg7[%dma_wait3A_83, %dma_wait3A_84, %dma_wait3A_85] : memref<4x100x64xf32, #tpu.memory_space<vmem>> -> memref<1x100x64xf32, #tpu.memory_space<vmem>>
    %dma_wait3A_87 = tpu.memref_squeeze %dma_wait3A_86 : memref<1x100x64xf32, #tpu.memory_space<vmem>> -> memref<100x64xf32, #tpu.memory_space<vmem>>
    %dma_wait3A_88 = arith.constant 0 : i32
    %dma_wait3A_89 = arith.constant 0 : i32
    %dma_wait3A_90 = tpu.memref_slice %arg4[%dma_wait3A_88, %dma_wait3A_89] : memref<819200x128xf32, #tpu.memory_space<hbm>> -> memref<100x64xf32, #tpu.memory_space<hbm>>
    %dma_wait3A_91 = arith.constant 0 : i32
    %dma_wait3A_92 = arith.constant 0 : i32
    %dma_wait3A_93 = tpu.memref_slice %arg4[%dma_wait3A_91, %dma_wait3A_92] : memref<819200x128xf32, #tpu.memory_space<hbm>> -> memref<100x64xf32, #tpu.memory_space<hbm>>
    %dma_wait3A_94 = arith.constant 0 : i32
    %dma_wait3A_95 = arith.constant 0 : i32
    %dma_wait3A_96 = tpu.memref_slice %arg7[%dma_wait3A_83, %dma_wait3A_94, %dma_wait3A_95] : memref<4x100x64xf32, #tpu.memory_space<vmem>> -> memref<1x100x64xf32, #tpu.memory_space<vmem>>
    %dma_wait3A_97 = tpu.memref_squeeze %dma_wait3A_96 : memref<1x100x64xf32, #tpu.memory_space<vmem>> -> memref<100x64xf32, #tpu.memory_space<vmem>>
    tpu.wait_dma2 semaphore(%arg14 : memref<!tpu.dma_semaphore, #tpu.memory_space<semaphore_mem>>) src(%dma_wait3A_97 : memref<100x64xf32, #tpu.memory_space<vmem>>) dst(%dma_wait3A_93 : memref<100x64xf32, #tpu.memory_space<hbm>>)
    %dma_wait3A_98 = arith.constant 3 : i32
    %dma_wait3A_99 = arith.constant 0 : i32
    %dma_wait3A_100 = arith.constant 0 : i32
    %dma_wait3A_101 = tpu.memref_slice %arg7[%dma_wait3A_98, %dma_wait3A_99, %dma_wait3A_100] : memref<4x100x64xf32, #tpu.memory_space<vmem>> -> memref<1x100x64xf32, #tpu.memory_space<vmem>>
    %dma_wait3A_102 = tpu.memref_squeeze %dma_wait3A_101 : memref<1x100x64xf32, #tpu.memory_space<vmem>> -> memref<100x64xf32, #tpu.memory_space<vmem>>
    %dma_wait3A_103 = arith.constant 0 : i32
    %dma_wait3A_104 = arith.constant 0 : i32
    %dma_wait3A_105 = tpu.memref_slice %arg4[%dma_wait3A_103, %dma_wait3A_104] : memref<819200x128xf32, #tpu.memory_space<hbm>> -> memref<100x64xf32, #tpu.memory_space<hbm>>
    %dma_wait3A_106 = arith.constant 0 : i32
    %dma_wait3A_107 = arith.constant 0 : i32
    %dma_wait3A_108 = tpu.memref_slice %arg4[%dma_wait3A_106, %dma_wait3A_107] : memref<819200x128xf32, #tpu.memory_space<hbm>> -> memref<100x64xf32, #tpu.memory_space<hbm>>
    %dma_wait3A_109 = arith.constant 0 : i32
    %dma_wait3A_110 = arith.constant 0 : i32
    %dma_wait3A_111 = tpu.memref_slice %arg7[%dma_wait3A_98, %dma_wait3A_109, %dma_wait3A_110] : memref<4x100x64xf32, #tpu.memory_space<vmem>> -> memref<1x100x64xf32, #tpu.memory_space<vmem>>
    %dma_wait3A_112 = tpu.memref_squeeze %dma_wait3A_111 : memref<1x100x64xf32, #tpu.memory_space<vmem>> -> memref<100x64xf32, #tpu.memory_space<vmem>>
    tpu.wait_dma2 semaphore(%arg15 : memref<!tpu.dma_semaphore, #tpu.memory_space<semaphore_mem>>) src(%dma_wait3A_112 : memref<100x64xf32, #tpu.memory_space<vmem>>) dst(%dma_wait3A_108 : memref<100x64xf32, #tpu.memory_space<hbm>>)
    return
  }
}

</mosaic_0001>

<sc_bundles>
// kernel: kernel.3.cloned.1.call-start
scs
__scs_entry_jumppad:
0x0: {  	(pc) =	sbr.rel $0x88, $3  }
0x1: {  	(tag) =	ssettag $0x0;
	lr =	simm.s32 $0x1  }
0x2: {  	[smem:$0x3F9F] =	sst lr;
	_ =	strace $0xD0000000  }
0x3: {  	_ = 	snop  }
0x4: {  	_ = 	snop  }
0x5: {  	_ = 	snop  }
0x6: {  	_ = 	snop  }
0x7: {  	_ = 	snop  }
__scs_overlays_trampoline_lowered:
0x8: {  	[smem:$0x3FAE] =	sst s0  }
0x9: {  	[smem:$0x3FAF] =	sst s1  }
0xa: {  	[smem:$0x3FB0] =	sst s2  }
0xb: {  	[smem:$0x3FB1] =	sst s3  }
0xc: {  	[smem:$0x3FB2] =	sst s4  }
0xd: {  	[smem:$0x3FB3] =	sst s5  }
0xe: {  	[smem:$0x3FB4] =	sst s6  }
0xf: {  	[smem:$0x3FB5] =	sst s7  }
0x10: {  	[smem:$0x3FB6] =	sst s8  }
0x11: {  	[smem:$0x3FB7] =	sst s9;
	s0 =	simm.s32 @!p0 $0x0  }
0x12: {  	s1 =	sld [smem:$0x3F9D];
	s0 =	simm.s32 @p0 $0x1  }
0x13: {  	[smem:$0x3FB8] =	sst s0;
	s0 =	simm.s32 @!p1 $0x0  }
0x14: {  	s2 =	sld [smem:$0x3F9C];
	s0 =	simm.s32 @p1 $0x1  }
0x15: {  	[smem:$0x3FB9] =	sst s0;
	s0 =	simm.s32 @!p2 $0x0  }
0x16: {  	s3 =	sld [smem:$0x3FDB];
	s0 =	simm.s32 @p2 $0x1  }
0x17: {  	s4 =	simm.s32 $0x1BF5;
	[smem:$0x3FBB] =	sst s0  }
0x18: {  	s0 =	sld [smem:$0x3F9E];
	_ =	swait.ge [sflag:s4], $0x0  }
0x19: {  	s7 =	sld [smem:$0x3F9F]  }
0x1a: {  	s8 =	sadd.s32 $0xFFFFE003, lr  }
0x1b: {  	s9 =	sadd.s32 $0xFFFFFEF7, lr;
	s5 =	simm.s32 $0xFFFFFFFF;
	p2 =	slt.u32 s8, $0xFFFFF086  }
0x1c: {  	p1 =	slt.u32 s9, $0xF7A;
	s5 =	simm.s32 @!p2 $0x0  }
0x1d: {  	s5 =	simm.s32 @p1 $0x1;
	p0 =	seq.s32 s7, s2  }
0x1e: {  	s7 =	smul.u32 @!p0 $0xF7A, s2;
	p2 =	seq.s32 @!p0 s5, $0x0  }
0x1f: {  	s9 =	smul.u32 $0xF7A, s1;
	s8 =	simm.s32 @!p0 $0x1BF5;
	p2 =	por !p2, p0  }
0x20: {  	[sflag:s8] =	ssyncset.s32 @!p0 $0xFFFFF086;
	s6 =	sadd.s32 @!p0 s3, s7;
	s7 =	simm.s32 @!p0 $0x108  }
0x21: {  	s3 =	sadd.s32 s3, s9;
	s6 =	sadd.s32 @!p0 $0x88, s6;
	s7 =	simm.s32 @p2 $0x1082  }
0x22: {  	[simem:s7], [sflag:s8] =	dma.local @!p0 [hbm:s6], $0xF7A  }
0x23: {  	s9 =	sor.u32 $0xD0000000, s2;
	s6 =	simm.s32 $0x108;
	_ =	swait.ge @!p0 [sflag:s8], $0x0  }
0x24: {  	s3 =	sadd.s32 $0x88, s3;
	s6 =	simm.s32 @!p1 $0x1082;
	[sflag:s4] =	ssyncset.s32 $0xFFFFF086  }
0x25: {  	[simem:s6], [sflag:s4] =	dma.local [hbm:s3], $0xF7A  }
0x26: {  	[smem:$0x3F9F] =	sst s1;
	(tag) =	ssettag s2;
	_ =	strace s9  }
0x27: {  	s1 =	sld [smem:$0x3FAF]  }
0x28: {  	s2 =	sld [smem:$0x3FB0]  }
0x29: {  	s4 =	sld [smem:$0x3FB2]  }
0x2a: {  	p0 =	seq.s32 s5, $0x0;
	s5 =	sld [smem:$0x3FB3]  }
0x2b: {  	s6 =	sld [smem:$0x3FB4]  }
0x2c: {  	s7 =	sld [smem:$0x3FB5]  }
0x2d: {  	s3 =	simm.s32 $0x108;
	s8 =	sld [smem:$0x3FB6]  }
0x2e: {  	s3 =	simm.s32 @!p0 $0x1082;
	s9 =	sld [smem:$0x3FB7]  }
0x2f: {  	lr =	sadd.s32 s0, s3;
	s0 =	sld [smem:$0x3FAE]  }
0x30: {  	s3 =	sld [smem:$0x3FB1]  }
0x31: {  	[smem:$0x3FBA] =	sst s10  }
0x32: {  	s10 =	sld [smem:$0x3FB8];
	_ =	sdelay $0x3  }
0x33: {  	p0 =	seq.s32 s10, $0x1;
	s10 =	sld [smem:$0x3FBA];
	_ =	sdelay $0x3  }
0x34: {  	[smem:$0x3FBA] =	sst s10  }
0x35: {  	s10 =	sld [smem:$0x3FB9];
	_ =	sdelay $0x3  }
0x36: {  	p1 =	seq.s32 s10, $0x1;
	s10 =	sld [smem:$0x3FBA];
	_ =	sdelay $0x3  }
0x37: {  	[smem:$0x3FBA] =	sst s10  }
0x38: {  	s10 =	sld [smem:$0x3FBB]  }
0x39: {  	_ = 	snop;
	(pc) =	sbr.ind lr, $3  }
0x3a: {  	_ = 	snop  }
0x3b: {  	_ = 	snop  }
0x3c: {  	p2 =	seq.s32 s10, $0x1;
	s10 =	sld [smem:$0x3FBA]  }
0x3d: {  	_ =	shalt  }
0x3e: {  	_ =	shalt  }
0x3f: {  	_ =	shalt  }
0x40: {  	_ =	shalt  }
0x41: {  	_ =	shalt  }
0x42: {  	_ =	shalt  }
0x43: {  	_ =	shalt  }
0x44: {  	_ =	shalt  }
0x45: {  	_ =	shalt  }
0x46: {  	_ =	shalt  }
0x47: {  	_ =	shalt  }
0x48: {  	_ =	shalt  }
0x49: {  	_ =	shalt  }
0x4a: {  	_ =	shalt  }
0x4b: {  	_ =	shalt  }
0x4c: {  	_ =	shalt  }
0x4d: {  	_ =	shalt  }
0x4e: {  	_ =	shalt  }
0x4f: {  	_ =	shalt  }
0x50: {  	_ =	shalt  }
0x51: {  	_ =	shalt  }
0x52: {  	_ =	shalt  }
0x53: {  	_ =	shalt  }
0x54: {  	_ =	shalt  }
0x55: {  	_ =	shalt  }
0x56: {  	_ =	shalt  }
0x57: {  	_ =	shalt  }
0x58: {  	_ =	shalt  }
0x59: {  	_ =	shalt  }
0x5a: {  	_ =	shalt  }
0x5b: {  	_ =	shalt  }
0x5c: {  	_ =	shalt  }
0x5d: {  	_ =	shalt  }
0x5e: {  	_ =	shalt  }
0x5f: {  	_ =	shalt  }
0x60: {  	_ =	shalt  }
0x61: {  	_ =	shalt  }
0x62: {  	_ =	shalt  }
0x63: {  	_ =	shalt  }
0x64: {  	_ =	shalt  }
0x65: {  	_ =	shalt  }
0x66: {  	_ =	shalt  }
0x67: {  	_ =	shalt  }
0x68: {  	_ =	shalt  }
0x69: {  	_ =	shalt  }
0x6a: {  	_ =	shalt  }
0x6b: {  	_ =	shalt  }
0x6c: {  	_ =	shalt  }
0x6d: {  	_ =	shalt  }
0x6e: {  	_ =	shalt  }
0x6f: {  	_ =	shalt  }
0x70: {  	_ =	shalt  }
0x71: {  	_ =	shalt  }
0x72: {  	_ =	shalt  }
0x73: {  	_ =	shalt  }
0x74: {  	_ =	shalt  }
0x75: {  	_ =	shalt  }
0x76: {  	_ =	shalt  }
0x77: {  	_ =	shalt  }
0x78: {  	_ =	shalt  }
0x79: {  	_ =	shalt  }
0x7a: {  	_ =	shalt  }
0x7b: {  	_ =	shalt  }
0x7c: {  	_ =	shalt  }
0x7d: {  	_ =	shalt  }
0x7e: {  	_ =	shalt  }
0x7f: {  	_ =	shalt  }
0x80: {  	_ =	shalt  }
0x81: {  	_ =	shalt  }
0x82: {  	_ =	shalt  }
0x83: {  	_ =	shalt  }
0x84: {  	_ =	shalt  }
0x85: {  	_ =	shalt  }
0x86: {  	_ =	shalt  }
0x87: {  	_ =	shalt  }
.Lfunc_end0:
.L_simem_size_0:
called_computation.1_lowered:
.L_overlay_start_0:
0x88: {  	s2 =	sld [smem:$0x3FD9]  }
0x89: {  	s3 =	sld [smem:$0x3FFE];
	_ =	sdelay $0x1  }
0x8a: {  	s1 =	srdreg.scid  }
0x8b: {  	s0 =	sand.u32 $0x1, s1  }
0x8c: {  	s17 =	sshll.u32 s0, $0xA;
	s2 =	sadd.s32 s3, s2  }
0x8d: {  	s2 =	sadd.s32 s2, s17  }
0x8e: {  	[smem:$0x3FC6] =	sst s2  }
0x8f: {  	_ = 	snop  }
0x90: {  	s2 =	sld [smem:$0x3FD0];
	(tm) =	ssettm $0x1  }
0x91: {  	s18 =	sld [smem:$0x3FFB];
	_ =	sdelay $0x3  }
0x92: {  	_ =	strace s18  }
0x93: {  	s3 =	sld [smem:$0x3FFC];
	_ =	sdelay $0x3  }
0x94: {  	_ =	strace s3  }
0x95: {  	s3 =	sld [smem:$0x3FFD];
	_ =	sdelay $0x3  }
0x96: {  	_ =	strace s3  }
0x97: {  	_ =	strace $0x8FFFFFFF  }
0x98: {  	s19 =	sld [smem:$0x3FDB];
	_ =	sdelay $0x1  }
0x99: {  	s4 =	simm.s32 $_scs_section_size  }
0x9a: {  	s5 =	simm.s32 $_size__tile_overlayer_lowered;
	s6 =	simm.s32 $_tile_overlayer_lowered  }
0x9b: {  	s22 =	simm.s32 $0x1BFF;
	s21 =	sshll.u32 s6, $0x1;
	s3 =	sadd.s32 s4, s19  }
0x9c: {  	s7 =	simm.s32 $0x0;
	s20 =	sshll.u32 s5, $0x1;
	s5 =	sadd.s32 s21, s3  }
0x9d: {  	[timem:s7], [sflag:s22] =	dma.local [hbm:s5], s20  }
0x9e: {  	_ =	swait.ge [sflag:s22], s20  }
0x9f: {  	s4 =	ssub.s32 $0x0, s20;
	[sflag:s22] =	ssyncset.done $0x0  }
0xa0: {  	[sflag:s22] =	ssyncadd.s32 s4;
	_ =	sdelay $0x1  }
0xa1: {  	s23 =	simm.s32 $0x1B8B  }
0xa2: {  	_ =	swait.ge [sflag:s23], $0x1  }
0xa3: {  	[sflag:s23] =	ssyncset.done $0x0  }
0xa4: {  	s25 =	simm.s32 $0x1B8E;
	s24 =	sld [smem:$0x3FFE];
	[sflag:s23] =	ssyncadd.s32 $0xFFFFFFFF  }
0xa5: {  	s26 =	simm.s32 $execute0_lowered;
	[smem:$0x3FD2] =	sst s25  }
0xa6: {  	s5 =	sshll.u32 s26, $0x1;
	_ =	strace $0x80000046;
	[dreg:$0x1] =	wrdreg $0xFFFFFFFF  }
0xa7: {  	s28 =	simm.s32 $_size_execute0_lowered;
	s3 =	sadd.s32 s3, s5;
	[dreg:$0x0] =	wrdreg $0x0  }
0xa8: {  	s5 =	sshll.u32 s28, $0x1;
	[dreg:$0x2] =	wrdreg s3  }
0xa9: {  	[dreg:$0x3] =	wrdreg s5  }
0xaa: {  	[dreg:$0x4] =	wrdreg $0xC0  }
0xab: {  	_ =	task [dreg:s7], $0x5FFFF  }
0xac: {  	[dreg:$0x1] =	wrdreg $0xFFFFFFFF  }
0xad: {  	[dreg:$0x0] =	wrdreg $0x60  }
0xae: {  	[dreg:$0x2] =	wrdreg s2  }
0xaf: {  	[dreg:$0x3] =	wrdreg s24  }
0xb0: {  	[dreg:$0x4] =	wrdreg $0x9  }
0xb1: {  	_ =	task.clear_ibuf [dreg:s7], $0x5FFFF;
	_ =	strace $0x90000046  }
0xb2: {  	s29 =	simm.s32 $0x9;
	_ =	strace $0x80000048  }
0xb3: {  	_ =	swait.ge [sflag:s29], $0x1  }
0xb4: {  	[sflag:s29] =	ssyncadd.s32 $0xFFFFFFFF  }
0xb5: {  	_ =	strace $0x90000048  }
0xb6: {  	_ =	sfence  }
0xb7: {  	s30 =	sld [smem:$0x0];
	_ =	sdelay $0x2  }
0xb8: {  	s31 =	sshll.u32 s1, $0xD;
	s1 =	sshrl.u32 s1, $0x2  }
0xb9: {  	s3 =	sand.u32 $0x4000, s31;
	s1 =	sadd.s32 s1, s30  }
0xba: {  	s0 =	sor.u32 s3, s0;
	s1 =	sshll.u32 s1, $0x11  }
0xbb: {  	s0 =	sor.u32 s1, s0  }
0xbc: {  	s0 =	sadd.s32 $0x8F2B, s0  }
0xbd: {  	[sflag:s0] =	ssyncadd.remote.s32 $0x1  }
0xbe: {  	_ =	sfence.sel $0xFFFF  }
0xbf: {  	[dreg:$0x0] =	wrdreg $0xFFFFFFFF;
	(pc) =	sbr.abs _section_cstart, $3  }
0xc0: {  	[dreg:$0x1] =	wrdreg $0xFFFFFFFF  }
0xc1: {  	_ =	task.clear_ibuf [dreg:s7], $0x2FFFF;
	_ =	strace $0x9FFFFFFF  }
0xc2: {  	(tm) =	ssettm $0x7FFFFFFF  }
0xc3: {  	_ =	shalt  }
tec
execute0_lowered:
.L_overlay_start_1:
0x0: {  	(tag) =	ssettag $0x1  }
0x1: {  	s0 =	rddreg [dreg:$0x0];
	s1 =	srdreg.scid  }
0x2: {  	s5 =	rddreg [dreg:$0x1];
	s2 =	stileid.u32  }
0x3: {  	s8 =	simm.s32 $0x9;
	s9 =	simm.s32 $0x64;
	s16 =	simm.s32 $0xB300  }
0x4: {  	s17 =	simm.s32 $0x1;
	s18 =	simm.s32 $0x40;
	s19 =	simm.s32 $0x80  }
0x5: {  	s20 =	simm.s32 $0xCC00;
	s21 =	simm.s32 $0x2;
	s22 =	simm.s32 $0xE500  }
0x6: {  	s23 =	simm.s32 $0x3;
	s24 =	simm.s32 $0xFE00;
	s25 =	simm.s32 $0x4  }
0x7: {  	s26 =	simm.s32 $0x11700;
	s28 =	simm.s32 $0x5;
	s29 =	simm.s32 $0x6  }
0x8: {  	s30 =	simm.s32 $0x7;
	s31 =	simm.s32 $0x8;
	s1 =	sand.u32 $0x1, s1  }
0x9: {  	s3 =	sshll.u32 s2, $0x9;
	s2 =	simm.s32 $0x0;
	s4 =	sshll.u32 s1, $0x8  }
0xa: {  	s1 =	ssub.s32 $0x2, s1;
	[smem:$0x7FF] =	sst s2;
	s3 =	sor.u32 s4, s3  }
0xb: {  	s6 =	sshrl.u32 s1, $0x1;
	_ =	strace $0x80000047;
	s7 =	smul.u32 $0xD, s3  }
0xc: {  	s4 =	sadd.s32 $0xF42E00, s5;
	s5 =	sadd.s32 $0xA00, s5;
	s1 =	ssub.s32 s1, s6  }
0xd: {  	s6 =	sadd.s32 s0, s7;
	s7 =	smax.u32 s1, $0x1;
	s0 =	simm.s32 $0x0  }
.LBB2_1:
0xe: {  	[tilespmem:s2], [sflag:$0x9] =	stream.linear.gather [hbm4b:s6+s2], $0x6800, $0x38;
	[tilespmem:$0x13000] =	vst v63  }
0xf: {  	_ =	swait.ge [sflag:s8], $0x6800  }
0x10: {  	[sflag:s8] =	ssyncset.done $0x0  }
0x11: {  	s1 =	simm.s32 $0x6800;
	[sflag:s8] =	ssyncadd.s32 $0xFFFF9800  }
0x12: {  	[tilespmem:s1], [sflag:$0x1] =	stream.indirect.gather [hbm4b:s4+s9], $0x40, s2, s9, $0xb8;
	[tilespmem:$0x13000] =	vst v63  }
0x13: {  	s12 =	simm.s32 $0x68;
	s10 =	simm.s32 $0x8100  }
0x14: {  	[tilespmem:s10], [sflag:$0x2] =	stream.indirect.gather [hbm4b:s4+s9], $0x40, s12, s9, $0xb8;
	[tilespmem:$0x13000] =	vst v63  }
0x15: {  	s13 =	simm.s32 $0xD0;
	s14 =	simm.s32 $0x9A00  }
0x16: {  	[tilespmem:s14], [sflag:$0x3] =	stream.indirect.gather [hbm4b:s4+s9], $0x40, s13, s9, $0xb8;
	[tilespmem:$0x13000] =	vst v63  }
0x17: {  	s15 =	simm.s32 $0x138;
	s1 =	simm.s32 $0x0  }
0x18: {  	[tilespmem:s16], [sflag:$0x4] =	stream.indirect.gather [hbm4b:s4+s9], $0x40, s15, s9, $0xb8;
	[tilespmem:$0x13000] =	vst v63  }
.LBB2_2:
0x19: {  	_ =	swait.ge [sflag:s17], $0x1900  }
0x1a: {  	p1 =	seq.s32 s1, $0x0;
	[sflag:s17] =	ssyncset.done $0x0  }
0x1b: {  	s10 =	simm.s32 @!p1 $0x5;
	[sflag:s17] =	ssyncadd.s32 $0xFFFFE700  }
0x1c: {  	_ =	swait.ge @!p1 [sflag:s10], $0x1900  }
0x1d: {  	[sflag:s10] =	ssyncset.done @!p1 $0x0  }
0x1e: {  	s12 =	simm.s32 $0x0;
	[sflag:s10] =	ssyncadd.s32 @!p1 $0xFFFFE700  }
0x1f: {  	v3 =	vld [tilespmem:s12+$0x6830]  }
0x20: {  	v1 =	vld [tilespmem:s12+$0x6800]  }
0x21: {  	v2 =	vld [tilespmem:s12+$0x6810]  }
0x22: {  	v0 =	vld [tilespmem:s12+$0x6820]  }
0x23: {  	s11 =	simm.s32 $0x100;
	s10 =	sshll.u32 s1, $0x2  }
.LBB2_3:
0x24: {  	s13 =	sshra.s32 s11, $0x2;
	p0 =	sne.s32 s11, $0x6300;
	s11 =	sadd.s32 $0x100, s11;
	v4 =	vmul.f32 $8.000000000e+00, v3  }
.Ltmp0:
0x25: {  	v3 =	vld [tilespmem:s13+$0x6830];
	v5 =	vmul.f32 $8.000000000e+00, v1;
	(pc) =	sbr.rel @p0 .LBB2_3-.Ltmp0, $4  }
0x26: {  	v1 =	vld [tilespmem:s13+$0x6800];
	v6 =	vmul.f32 $8.000000000e+00, v2;
	[tilespmem:s12+$0xCC30] =	vst v4  }
0x27: {  	v2 =	vld [tilespmem:s13+$0x6810];
	[tilespmem:s12+$0xCC00] =	vst v5;
	v4 =	vmul.f32 $8.000000000e+00, v0  }
0x28: {  	v0 =	vld [tilespmem:s13+$0x6820];
	[tilespmem:s12+$0xCC10] =	vst v6  }
0x29: {  	[tilespmem:s12+$0xCC20] =	vst v4;
	s12 =	smov.u32 s13  }
0x2a: {  	v3 =	vmul.f32 $8.000000000e+00, v3  }
0x2b: {  	p0 =	seq.s32 s1, $0x3F;
	v1 =	vmul.f32 $8.000000000e+00, v1  }
0x2c: {  	s11 =	smul.u32 @!p0 $0x680, s1;
	v2 =	vmul.f32 $8.000000000e+00, v2;
	[tilespmem:s12+$0xCC30] =	vst v3  }
0x2d: {  	[tilespmem:s12+$0xCC00] =	vst v1;
	v0 =	vmul.f32 $8.000000000e+00, v0  }
0x2e: {  	s14 =	sadd.s32 s3, s10;
	s15 =	simm.s32 @!p0 $0x6800;
	s11 =	sshra.s32 @!p0 s11, $0x2;
	[tilespmem:s12+$0xCC10] =	vst v2  }
0x2f: {  	s14 =	smul.u32 $0x640, s14;
	s13 =	sadd.s32 @!p0 $0x1A0, s11;
	[tilespmem:s12+$0xCC20] =	vst v0;
	s12 =	simm.s32 @!p0 $0x64  }
0x30: {  	[tilespmem:s15], [sflag:$0x1] =	stream.indirect.gather @!p0 [hbm4b:s4+s12], $0x40, s13, s12, $0xb8;
	[tilespmem:$0x13000] =	vst v63  }
0x31: {  	s15 =	sadd.s32 s5, s14  }
0x32: {  	[hbm4b:s15+s18] =	stream.strided.scatter [tilespmem:s20], [sflag:$0x5], $0x1900, s19, s18, $0x38;
	[tilespmem:$0x13000] =	vst v63  }
0x33: {  	_ =	swait.ge [sflag:s21], $0x1900  }
0x34: {  	[sflag:s21] =	ssyncset.done $0x0  }
0x35: {  	s12 =	simm.s32 @!p1 $0x6;
	[sflag:s21] =	ssyncadd.s32 $0xFFFFE700  }
0x36: {  	_ =	swait.ge @!p1 [sflag:s12], $0x1900  }
0x37: {  	[sflag:s12] =	ssyncset.done @!p1 $0x0  }
0x38: {  	[sflag:s12] =	ssyncadd.s32 @!p1 $0xFFFFE700;
	s12 =	simm.s32 $0x0  }
0x39: {  	v0 =	vld [tilespmem:s12+$0x8130]  }
0x3a: {  	v1 =	vld [tilespmem:s12+$0x8100]  }
0x3b: {  	v3 =	vld [tilespmem:s12+$0x8110]  }
0x3c: {  	v2 =	vld [tilespmem:s12+$0x8120]  }
0x3d: {  	s13 =	sor.u32 $0x1, s10;
	s14 =	simm.s32 $0x100  }
.LBB2_5:
0x3e: {  	s15 =	sshra.s32 s14, $0x2;
	p2 =	sne.s32 s14, $0x6300;
	s14 =	sadd.s32 $0x100, s14;
	v4 =	vmul.f32 $8.000000000e+00, v0  }
.Ltmp1:
0x3f: {  	v0 =	vld [tilespmem:s15+$0x8130];
	v5 =	vmul.f32 $8.000000000e+00, v1;
	(pc) =	sbr.rel @p2 .LBB2_5-.Ltmp1, $4  }
0x40: {  	v1 =	vld [tilespmem:s15+$0x8100];
	v6 =	vmul.f32 $8.000000000e+00, v3;
	[tilespmem:s12+$0xE530] =	vst v4  }
0x41: {  	v3 =	vld [tilespmem:s15+$0x8110];
	[tilespmem:s12+$0xE500] =	vst v5;
	v4 =	vmul.f32 $8.000000000e+00, v2  }
0x42: {  	v2 =	vld [tilespmem:s15+$0x8120];
	[tilespmem:s12+$0xE510] =	vst v6  }
0x43: {  	[tilespmem:s12+$0xE520] =	vst v4;
	s12 =	smov.u32 s15  }
0x44: {  	v0 =	vmul.f32 $8.000000000e+00, v0  }
0x45: {  	v1 =	vmul.f32 $8.000000000e+00, v1  }
0x46: {  	v3 =	vmul.f32 $8.000000000e+00, v3;
	[tilespmem:s12+$0xE530] =	vst v0  }
0x47: {  	[tilespmem:s12+$0xE500] =	vst v1;
	v0 =	vmul.f32 $8.000000000e+00, v2  }
0x48: {  	s14 =	sadd.s32 @!p0 $0x208, s11;
	s13 =	sadd.s32 s3, s13;
	[tilespmem:s12+$0xE510] =	vst v3  }
0x49: {  	s15 =	simm.s32 @!p0 $0x8100;
	s13 =	smul.u32 $0x640, s13;
	[tilespmem:s12+$0xE520] =	vst v0;
	s12 =	simm.s32 @!p0 $0x64  }
0x4a: {  	[tilespmem:s15], [sflag:$0x2] =	stream.indirect.gather @!p0 [hbm4b:s4+s12], $0x40, s14, s12, $0xb8;
	[tilespmem:$0x13000] =	vst v63  }
0x4b: {  	s15 =	sadd.s32 s5, s13  }
0x4c: {  	[hbm4b:s15+s18] =	stream.strided.scatter [tilespmem:s22], [sflag:$0x6], $0x1900, s19, s18, $0x38;
	[tilespmem:$0x13000] =	vst v63  }
0x4d: {  	_ =	swait.ge [sflag:s23], $0x1900  }
0x4e: {  	[sflag:s23] =	ssyncset.done $0x0  }
0x4f: {  	s12 =	simm.s32 @!p1 $0x7;
	[sflag:s23] =	ssyncadd.s32 $0xFFFFE700  }
0x50: {  	_ =	swait.ge @!p1 [sflag:s12], $0x1900  }
0x51: {  	[sflag:s12] =	ssyncset.done @!p1 $0x0  }
0x52: {  	[sflag:s12] =	ssyncadd.s32 @!p1 $0xFFFFE700;
	s12 =	simm.s32 $0x0  }
0x53: {  	v0 =	vld [tilespmem:s12+$0x9A30]  }
0x54: {  	v1 =	vld [tilespmem:s12+$0x9A00]  }
0x55: {  	v3 =	vld [tilespmem:s12+$0x9A10]  }
0x56: {  	v2 =	vld [tilespmem:s12+$0x9A20]  }
0x57: {  	s13 =	sor.u32 $0x2, s10;
	s14 =	simm.s32 $0x100  }
.LBB2_7:
0x58: {  	s15 =	sshra.s32 s14, $0x2;
	p2 =	sne.s32 s14, $0x6300;
	s14 =	sadd.s32 $0x100, s14;
	v4 =	vmul.f32 $8.000000000e+00, v0  }
.Ltmp2:
0x59: {  	v0 =	vld [tilespmem:s15+$0x9A30];
	v5 =	vmul.f32 $8.000000000e+00, v1;
	(pc) =	sbr.rel @p2 .LBB2_7-.Ltmp2, $4  }
0x5a: {  	v1 =	vld [tilespmem:s15+$0x9A00];
	v6 =	vmul.f32 $8.000000000e+00, v3;
	[tilespmem:s12+$0xFE30] =	vst v4  }
0x5b: {  	v3 =	vld [tilespmem:s15+$0x9A10];
	[tilespmem:s12+$0xFE00] =	vst v5;
	v4 =	vmul.f32 $8.000000000e+00, v2  }
0x5c: {  	v2 =	vld [tilespmem:s15+$0x9A20];
	[tilespmem:s12+$0xFE10] =	vst v6  }
0x5d: {  	[tilespmem:s12+$0xFE20] =	vst v4;
	s12 =	smov.u32 s15  }
0x5e: {  	v0 =	vmul.f32 $8.000000000e+00, v0  }
0x5f: {  	v1 =	vmul.f32 $8.000000000e+00, v1  }
0x60: {  	v3 =	vmul.f32 $8.000000000e+00, v3;
	[tilespmem:s12+$0xFE30] =	vst v0  }
0x61: {  	[tilespmem:s12+$0xFE00] =	vst v1;
	v0 =	vmul.f32 $8.000000000e+00, v2  }
0x62: {  	s14 =	sadd.s32 @!p0 $0x270, s11;
	s13 =	sadd.s32 s3, s13;
	[tilespmem:s12+$0xFE10] =	vst v3  }
0x63: {  	s15 =	simm.s32 @!p0 $0x9A00;
	s13 =	smul.u32 $0x640, s13;
	[tilespmem:s12+$0xFE20] =	vst v0;
	s12 =	simm.s32 @!p0 $0x64  }
0x64: {  	[tilespmem:s15], [sflag:$0x3] =	stream.indirect.gather @!p0 [hbm4b:s4+s12], $0x40, s14, s12, $0xb8;
	[tilespmem:$0x13000] =	vst v63  }
0x65: {  	s15 =	sadd.s32 s5, s13  }
0x66: {  	[hbm4b:s15+s18] =	stream.strided.scatter [tilespmem:s24], [sflag:$0x7], $0x1900, s19, s18, $0x38;
	[tilespmem:$0x13000] =	vst v63  }
0x67: {  	_ =	swait.ge [sflag:s25], $0x1900  }
0x68: {  	[sflag:s25] =	ssyncset.done $0x0  }
0x69: {  	s12 =	simm.s32 @!p1 $0x8;
	[sflag:s25] =	ssyncadd.s32 $0xFFFFE700  }
0x6a: {  	_ =	swait.ge @!p1 [sflag:s12], $0x1900  }
0x6b: {  	[sflag:s12] =	ssyncset.done @!p1 $0x0  }
0x6c: {  	[sflag:s12] =	ssyncadd.s32 @!p1 $0xFFFFE700;
	s12 =	simm.s32 $0x0  }
0x6d: {  	v0 =	vld [tilespmem:s12+$0xB330]  }
0x6e: {  	v1 =	vld [tilespmem:s12+$0xB300]  }
0x6f: {  	v3 =	vld [tilespmem:s12+$0xB310]  }
0x70: {  	v2 =	vld [tilespmem:s12+$0xB320]  }
0x71: {  	s10 =	sor.u32 $0x3, s10;
	s13 =	simm.s32 $0x100  }
.LBB2_9:
0x72: {  	s14 =	sshra.s32 s13, $0x2;
	p1 =	sne.s32 s13, $0x6300;
	s13 =	sadd.s32 $0x100, s13;
	v4 =	vmul.f32 $8.000000000e+00, v0  }
.Ltmp3:
0x73: {  	v0 =	vld [tilespmem:s14+$0xB330];
	v5 =	vmul.f32 $8.000000000e+00, v1;
	(pc) =	sbr.rel @p1 .LBB2_9-.Ltmp3, $4  }
0x74: {  	v1 =	vld [tilespmem:s14+$0xB300];
	v6 =	vmul.f32 $8.000000000e+00, v3;
	[tilespmem:s12+$0x11730] =	vst v4  }
0x75: {  	v3 =	vld [tilespmem:s14+$0xB310];
	[tilespmem:s12+$0x11700] =	vst v5;
	v4 =	vmul.f32 $8.000000000e+00, v2  }
0x76: {  	v2 =	vld [tilespmem:s14+$0xB320];
	[tilespmem:s12+$0x11710] =	vst v6  }
0x77: {  	[tilespmem:s12+$0x11720] =	vst v4;
	s12 =	smov.u32 s14  }
0x78: {  	v0 =	vmul.f32 $8.000000000e+00, v0  }
0x79: {  	v1 =	vmul.f32 $8.000000000e+00, v1  }
0x7a: {  	v3 =	vmul.f32 $8.000000000e+00, v3;
	[tilespmem:s12+$0x11730] =	vst v0  }
0x7b: {  	[tilespmem:s12+$0x11700] =	vst v1;
	v63 =	vmul.f32 $8.000000000e+00, v2  }
0x7c: {  	s11 =	sadd.s32 @!p0 $0x2D8, s11;
	[tilespmem:s12+$0x11710] =	vst v3  }
0x7d: {  	s13 =	simm.s32 @!p0 $0xB300;
	s1 =	sadd.s32 $0x1, s1;
	[tilespmem:s12+$0x11720] =	vst v63;
	s12 =	simm.s32 @!p0 $0x64  }
0x7e: {  	[tilespmem:s13], [sflag:$0x4] =	stream.indirect.gather @!p0 [hbm4b:s4+s12], $0x40, s11, s12, $0xb8;
	[tilespmem:$0x13000] =	vst v63  }
0x7f: {  	p0 =	sne.s32 s1, $0x40  }
.Ltmp4:
0x80: {  	s10 =	sadd.s32 s3, s10;
	(pc) =	sbr.rel @p0 .LBB2_2-.Ltmp4, $3  }
0x81: {  	s10 =	smul.u32 $0x640, s10;
	_ =	sdelay $0x1  }
0x82: {  	s10 =	sadd.s32 s5, s10  }
0x83: {  	[hbm4b:s10+s18] =	stream.strided.scatter [tilespmem:s26], [sflag:$0x8], $0x1900, s19, s18, $0x38;
	[tilespmem:$0x13000] =	vst v63  }
0x84: {  	_ =	swait.ge [sflag:s28], $0x1900  }
0x85: {  	[sflag:s28] =	ssyncset.done $0x0  }
0x86: {  	[sflag:s28] =	ssyncadd.s32 $0xFFFFE700  }
0x87: {  	_ =	swait.ge [sflag:s29], $0x1900  }
0x88: {  	[sflag:s29] =	ssyncset.done $0x0  }
0x89: {  	s0 =	sadd.s32 $0x1, s0;
	[sflag:s29] =	ssyncadd.s32 $0xFFFFE700  }
0x8a: {  	p0 =	sne.s32 s0, s7;
	_ =	swait.ge [sflag:s30], $0x1900  }
.Ltmp5:
0x8b: {  	[sflag:s30] =	ssyncset.done $0x0;
	(pc) =	sbr.rel @p0 .LBB2_1-.Ltmp5, $4  }
0x8c: {  	[sflag:s30] =	ssyncadd.s32 $0xFFFFE700  }
0x8d: {  	_ =	swait.ge [sflag:s31], $0x1900  }
0x8e: {  	[sflag:s31] =	ssyncset.done $0x0  }
0x8f: {  	[sflag:s31] =	ssyncadd.s32 $0xFFFFE700  }
0x90: {  	_ =	sfence.sel $0x180000  }
0x91: {  	[bflag:$0x0] =	sbarrier.arrive $0xFFFF  }
0x92: {  	_ =	strace $0x90000047  }
0x93: {  	s0 =	stileid.u32;
	[bflag:$0x2] =	sbarrier.arrive $0xFFFF  }
0x94: {  	p0 =	sne.s32 s0, $0x0;
	s0 =	rddreg [dreg:$0x2]  }
0x95: {  	s0 =	sadd.s32 @!p0 $0x100000, s0  }
0x96: {  	[sflag:s0] =	ssyncadd.tile.s32 @!p0 $0x1;
	_ =	shalt  }
.Lfunc_end2:
_tile_overlayer_lowered:
.L_overlay_start_2:
0x97: {  	(tag) =	ssettag $0x2  }
0x98: {  	s0 =	rddreg [dreg:$0x0];
	s2 =	stileid.u32  }
0x99: {  	s1 =	rddreg [dreg:$0x1];
	p0 =	sne.s32 s2, $0x0  }
0x9a: {  	s3 =	rddreg [dreg:$0x2];
	[bflag:$0x3] =	sbarrier.arrive $0xFFFF;
	s2 =	simm.s32 @!p0 $0x1C09  }
0x9b: {  	[timem:s3], [sflag:s2] =	dma.local @!p0 [hbm:s0], s1  }
0x9c: {  	s0 =	simm.s32 @!p0 $0x9  }
0x9d: {  	_ =	swait.ge @!p0 [sflag:s0], s1  }
0x9e: {  	s1 =	ssub.s32 @!p0 $0x0, s1;
	[sflag:s0] =	ssyncset.done @!p0 $0x0  }
0x9f: {  	[sflag:s0] =	ssyncadd.s32 @!p0 s1  }
0xa0: {  	[bflag:$0x3] =	sbarrier.arrive $0xFFFF  }
0xa1: {  	_ =	shalt  }

// kernel: sparse-core-data-format-call.cloned.1.call-start
scs
called_computation_lowered:
.L_overlay_start_0:
0x0: {  	s2 =	sld [smem:$0x3FD9]  }
0x1: {  	s3 =	sld [smem:$0x3FFE];
	_ =	sdelay $0x1  }
0x2: {  	s1 =	srdreg.scid  }
0x3: {  	s0 =	sand.u32 $0x1, s1  }
0x4: {  	s18 =	sshll.u32 s0, $0xA;
	s2 =	sadd.s32 s3, s2  }
0x5: {  	s2 =	sadd.s32 s2, s18  }
0x6: {  	[smem:$0x3FC6] =	sst s2  }
0x7: {  	_ = 	snop  }
0x8: {  	s2 =	sld [smem:$0x3FD0];
	(tm) =	ssettm $0x1  }
0x9: {  	s19 =	sld [smem:$0x3FFB];
	_ =	sdelay $0x3  }
0xa: {  	_ =	strace s19  }
0xb: {  	s3 =	sld [smem:$0x3FFC];
	_ =	sdelay $0x3  }
0xc: {  	_ =	strace s3  }
0xd: {  	s3 =	sld [smem:$0x3FFD];
	_ =	sdelay $0x3  }
0xe: {  	_ =	strace s3  }
0xf: {  	_ =	strace $0x8FFFFFFF  }
0x10: {  	s20 =	sld [smem:$0x3FDB];
	_ =	sdelay $0x1  }
0x11: {  	s4 =	simm.s32 $_scs_section_size  }
0x12: {  	s5 =	simm.s32 $_size__tile_overlayer_lowered;
	s6 =	simm.s32 $_tile_overlayer_lowered  }
0x13: {  	s23 =	simm.s32 $0x1BFF;
	s22 =	sshll.u32 s6, $0x1;
	s3 =	sadd.s32 s4, s20  }
0x14: {  	s7 =	simm.s32 $0x0;
	s21 =	sshll.u32 s5, $0x1;
	s5 =	sadd.s32 s22, s3  }
0x15: {  	[timem:s7], [sflag:s23] =	dma.local [hbm:s5], s21  }
0x16: {  	_ =	swait.ge [sflag:s23], s21  }
0x17: {  	s4 =	ssub.s32 $0x0, s21;
	[sflag:s23] =	ssyncset.done $0x0  }
0x18: {  	[sflag:s23] =	ssyncadd.s32 s4;
	_ =	sdelay $0x1  }
0x19: {  	s24 =	simm.s32 $0x1B8B  }
0x1a: {  	_ =	swait.ge [sflag:s24], $0x1  }
0x1b: {  	[sflag:s24] =	ssyncset.done $0x0  }
0x1c: {  	s26 =	simm.s32 $0x1B8E;
	s25 =	sld [smem:$0x3FFE];
	[sflag:s24] =	ssyncadd.s32 $0xFFFFFFFF  }
0x1d: {  	s27 =	simm.s32 $execute0_lowered;
	[smem:$0x3FD2] =	sst s26  }
0x1e: {  	s5 =	sshll.u32 s27, $0x1;
	_ =	strace $0x80000049;
	[dreg:$0x1] =	wrdreg $0xFFFFFFFF  }
0x1f: {  	s28 =	simm.s32 $_size_execute0_lowered;
	s3 =	sadd.s32 s3, s5;
	[dreg:$0x0] =	wrdreg $0x0  }
0x20: {  	s5 =	sshll.u32 s28, $0x1;
	[dreg:$0x2] =	wrdreg s3  }
0x21: {  	[dreg:$0x3] =	wrdreg s5  }
0x22: {  	[dreg:$0x4] =	wrdreg $0xC0  }
0x23: {  	_ =	task [dreg:s7], $0x5FFFF  }
0x24: {  	[dreg:$0x1] =	wrdreg $0xFFFFFFFF  }
0x25: {  	[dreg:$0x0] =	wrdreg $0x60  }
0x26: {  	[dreg:$0x2] =	wrdreg s25  }
0x27: {  	[dreg:$0x3] =	wrdreg s2  }
0x28: {  	[dreg:$0x4] =	wrdreg $0x9  }
0x29: {  	_ =	task.clear_ibuf [dreg:s7], $0x5FFFF;
	_ =	strace $0x90000049  }
0x2a: {  	s29 =	simm.s32 $0x9;
	_ =	strace $0x8000004B  }
0x2b: {  	_ =	swait.ge [sflag:s29], $0x1  }
0x2c: {  	[sflag:s29] =	ssyncadd.s32 $0xFFFFFFFF  }
0x2d: {  	_ =	strace $0x9000004B  }
0x2e: {  	_ =	sfence  }
0x2f: {  	s30 =	sld [smem:$0x0];
	_ =	sdelay $0x2  }
0x30: {  	s31 =	sshll.u32 s1, $0xD;
	s1 =	sshrl.u32 s1, $0x2  }
0x31: {  	s3 =	sand.u32 $0x4000, s31;
	s1 =	sadd.s32 s1, s30  }
0x32: {  	s0 =	sor.u32 s3, s0;
	s1 =	sshll.u32 s1, $0x11  }
0x33: {  	s0 =	sor.u32 s1, s0  }
0x34: {  	s0 =	sadd.s32 $0x8F2B, s0  }
0x35: {  	[sflag:s0] =	ssyncadd.remote.s32 $0x1  }
0x36: {  	_ =	sfence.sel $0xFFFF  }
0x37: {  	[dreg:$0x0] =	wrdreg $0xFFFFFFFF;
	(pc) =	sbr.abs _section_cstart, $3  }
0x38: {  	[dreg:$0x1] =	wrdreg $0xFFFFFFFF  }
0x39: {  	_ =	task.clear_ibuf [dreg:s7], $0x2FFFF;
	_ =	strace $0x9FFFFFFF  }
0x3a: {  	(tm) =	ssettm $0x7FFFFFFF  }
0x3b: {  	_ =	shalt  }
tec
execute0_lowered:
.L_overlay_start_1:
0x0: {  	(tag) =	ssettag $0x1  }
0x1: {  	s0 =	srdreg.scid  }
0x2: {  	s1 =	sshll.u32 s0, $0x4  }
0x3: {  	s0 =	stileid.u32;
	s1 =	sand.u32 $0x10, s1  }
0x4: {  	s1 =	sor.u32 s0, s1  }
0x5: {  	s6 =	rddreg [dreg:$0x0];
	s4 =	simm.s32 $0x1;
	s2 =	sshll.u32 s1, $0x7  }
0x6: {  	s7 =	simm.s32 $0x2;
	s12 =	simm.s32 $0x0;
	s1 =	ssub.s32 $0x1000, s2  }
0x7: {  	s8 =	simm.s32 $0x8000;
	s13 =	simm.s32 $0x0;
	s3 =	sand.u32 $0xF80, s1  }
0x8: {  	s9 =	simm.s32 $0x0;
	s5 =	sshrl.u32 s1, $0xC;
	p0 =	sne.s32 s3, $0x0  }
.Ltmp0:
0x9: {  	s1 =	rddreg [dreg:$0x2];
	s4 =	simm.s32 @!p0 $0x0;
	(pc) =	sbr.rel .LBB1_1-.Ltmp0, $4  }
0xa: {  	s11 =	simm.s32 $0x0;
	s3 =	rddreg [dreg:$0x1];
	s5 =	sadd.s32 s4, s5  }
0xb: {  	_ =	strace $0x8000004A;
	s4 =	simm.s32 $0x1;
	s5 =	smul.u32 $0xC8, s5  }
0xc: {  	s6 =	sadd.s32 $0xA00, s6;
	s10 =	smov.u32 s2;
	[sflag:s4] =	ssyncpa.u1 $0x0  }
0xd: {  	p0 =	por $0x0, $0x0;
	[sflag:s7] =	ssyncpa.u1 $0x0;
	s7 =	sor.u32 $0x1, s5  }
.LBB1_4:
0xe: {  	s16 =	sshll.u32 s13, $0x3;
	s17 =	sand.u32 $0x78, s13  }
0xf: {  	s30 =	sand.u32 $0x7E00, s13;
	s12 =	sshll.u32 s12, $0xF;
	s16 =	sand.u32 $0xC00, s16  }
0x10: {  	[tilespmem:s15+$0x810 ss:$0x81] =	vst.msk $0xffff, v2;
	s31 =	sand.u32 $0x7, s13;
	s16 =	sor.u32 s17, s16;
	s17 =	sadd.s32 s3, s30  }
0x11: {  	[tilespmem:s15+$0x1020 ss:$0x81] =	vst.msk $0xffff, v0;
	s13 =	sshll.u32 s31, $0x12;
	s12 =	sadd.s32 s12, s17;
	s16 =	sshrl.u32 s16, $0x3  }
0x12: {  	[tilespmem:s15+$0x0 ss:$0x81] =	vst.msk $0xffff, v1;
	s13 =	sor.u32 $0x400, s13;
	s12 =	sadd.s32 s16, s12  }
0x13: {  	[hbm4b:s12+s13] =	stream.strided.scatter [tilespmem:s14], [sflag:$0x2], $0x2000, s8, s13, $0x20;
	[tilespmem:$0x8080] =	vst v63  }
.LBB1_5:
0x14: {  	s14 =	sadd.s32 $0x1, s9  }
0x15: {  	s12 =	sadd.s32 $0x1000, s10;
	s16 =	smov.u32 s10;
	p2 =	sgt.s32 s14, $0xC7  }
0x16: {  	s16 =	smov.u32 @p2 s12  }
0x17: {  	s14 =	simm.s32 @p2 $0x0;
	p2 =	sgt.s32 s16, $0xFFF  }
0x18: {  	s16 =	smov.u32 @p2 s2;
	p2 =	sne.s32 s11, s7  }
.Ltmp1:
0x19: {  	p1 =	slt.u32 s11, $0x2;
	(pc) =	sbr.rel @!p2 .LBB1_6-.Ltmp1, $4  }
0x1a: {  	s15 =	simm.s32 @!p1 $0x2  }
0x1b: {  	s13 =	smov.u32 s10;
	p0 =	por !p0, !p0;
	_ =	swait.ge @!p1 [sflag:s15], $0x2000  }
0x1c: {  	s12 =	smov.u32 s9;
	[sflag:s15] =	ssyncset.done @!p1 $0x0;
	s9 =	smov.u32 s14  }
0x1d: {  	s11 =	sadd.s32 $0x1, s11;
	[sflag:s15] =	ssyncadd.s32 @!p1 $0xFFFFE000;
	s10 =	smov.u32 s16  }
.LBB1_1:
0x1e: {  	p1 =	sge.u32 s11, s5  }
0x1f: {  	s14 =	sand.u32 @!p1 $0x1FFFFFF, s9  }
0x20: {  	s15 =	smulhi.u32 @!p1 $0x147AE15, s14;
	_ =	sdelay $0x1  }
0x21: {  	s15 =	smul.u32 @!p1 $0xC8, s15  }
0x22: {  	s16 =	sxor.u32 @!p1 $0xFFFFFFFF, s11;
	s17 =	smul.u32 @!p1 $0xC80, s10  }
0x23: {  	s31 =	sadd.s32 $0xFFFFFFFF, s11;
	s16 =	sshll.u32 @!p1 s16, $0xD;
	s14 =	ssub.s32 @!p1 s14, s15  }
0x24: {  	s15 =	sand.u32 @!p1 $0x2000, s16;
	s16 =	sadd.s32 @!p1 s6, s17;
	s14 =	sshll.u32 @!p1 s14, $0x4  }
0x25: {  	s17 =	simm.s32 @!p1 $0x6400;
	s14 =	sadd.s32 @!p1 s14, s16;
	s16 =	simm.s32 @!p1 $0x40  }
0x26: {  	[tilespmem:s15], [sflag:$0x1] =	stream.strided.gather @!p1 [hbm4b:s14+s16], $0x2000, s17, s16, $0x38;
	[tilespmem:$0x8080] =	vst v63  }
0x27: {  	p1 =	sge.u32 s31, s5  }
.Ltmp2:
0x28: {  	_ = 	snop;
	(pc) =	sbr.rel @p1 .LBB1_5-.Ltmp2, $1  }
0x29: {  	_ =	sdelay $0x3  }
0x2a: {  	s14 =	simm.s32 $0x1  }
0x2b: {  	_ =	swait.ge [sflag:s4], $0x2000;
	s14 =	simm.s32 @!p0 $0x0  }
0x2c: {  	[sflag:s4] =	ssyncset.done $0x0;
	s15 =	sshll.u32 s14, $0xD  }
0x2d: {  	[sflag:s4] =	ssyncadd.s32 $0xFFFFE000;
	s18 =	sor.u32 $0x20, s15  }
0x2e: {  	s14 =	smul.u32 $0x8100, s14;
	v3 =	vld [tilespmem:s18+$0x10]  }
0x2f: {  	s30 =	sand.u32 $0x1, s11;
	v2 =	vld [tilespmem:s18+$0xFFFFFFF0]  }
0x30: {  	s15 =	smul.u32 $0x8100, s30;
	s14 =	sshrl.u32 s14, $0x2;
	v0 =	vld [tilespmem:s18+$0x0]  }
0x31: {  	v1 =	vld [tilespmem:s18+$0xFFFFFFE0];
	s16 =	sor.u32 $0x4000, s14  }
0x32: {  	s31 =	sshrl.u32 s15, $0x2;
	s15 =	sadd.s32 $0x0, s16  }
0x33: {  	s17 =	simm.s32 $0x4;
	s18 =	sadd.s32 $0x40, s18;
	s14 =	sor.u32 $0x4000, s31;
	[tilespmem:s15+$0x1830 ss:$0x81] =	vst.msk $0xffff, v3  }
.LBB1_3:
0x34: {  	v3 =	vld [tilespmem:s18+$0x10];
	p1 =	sne.s32 s17, $0x1FC;
	[tilespmem:s15+$0x810 ss:$0x81] =	vst.msk $0xffff, v2;
	s19 =	smov.u32 s17;
	s17 =	sadd.s32 $0x4, s17  }
.Ltmp3:
0x35: {  	v2 =	vld [tilespmem:s18+$0xFFFFFFF0];
	[tilespmem:s15+$0x1020 ss:$0x81] =	vst.msk $0xffff, v0;
	(pc) =	sbr.rel @p1 .LBB1_3-.Ltmp3, $4  }
0x36: {  	v0 =	vld [tilespmem:s18+$0x0];
	[tilespmem:s15+$0x0 ss:$0x81] =	vst.msk $0xffff, v1  }
0x37: {  	s15 =	sshra.s32 s19, $0x2;
	v1 =	vld [tilespmem:s18+$0xFFFFFFE0]  }
0x38: {  	s15 =	sadd.s32 s15, s16  }
0x39: {  	s18 =	sadd.s32 $0x40, s18;
	[tilespmem:s15+$0x1830 ss:$0x81] =	vst.msk $0xffff, v3  }
.Ltmp4:
0x3a: {  	_ = 	snop;
	(pc) =	sbr.rel .LBB1_4-.Ltmp4, $1  }
0x3b: {  	_ =	sdelay $0x3  }
.LBB1_6:
0x3c: {  	_ =	sfence.sel $0x180000  }
0x3d: {  	s2 =	simm.s32 $0x1;
	[bflag:$0x0] =	sbarrier.arrive $0xFFFF  }
0x3e: {  	s31 =	simm.s32 $0x2;
	[sflag:s2] =	ssyncpa.u1 $0x1  }
0x3f: {  	[sflag:s31] =	ssyncpa.u1 $0x1  }
0x40: {  	p0 =	sne.s32 s0, $0x0;
	_ =	strace $0x9000004A  }
0x41: {  	s0 =	sadd.s32 @!p0 $0x100000, s1;
	[bflag:$0x2] =	sbarrier.arrive $0xFFFF  }
0x42: {  	[sflag:s0] =	ssyncadd.tile.s32 @!p0 $0x1;
	_ =	shalt  }
.Lfunc_end1:
_tile_overlayer_lowered:
.L_overlay_start_2:
0x43: {  	(tag) =	ssettag $0x2  }
0x44: {  	s0 =	rddreg [dreg:$0x0];
	s2 =	stileid.u32  }
0x45: {  	s1 =	rddreg [dreg:$0x1];
	p0 =	sne.s32 s2, $0x0  }
0x46: {  	s3 =	rddreg [dreg:$0x2];
	[bflag:$0x3] =	sbarrier.arrive $0xFFFF;
	s2 =	simm.s32 @!p0 $0x1C01  }
0x47: {  	[timem:s3], [sflag:s2] =	dma.local @!p0 [hbm:s0], s1  }
0x48: {  	s0 =	simm.s32 @!p0 $0x1  }
0x49: {  	_ =	swait.ge @!p0 [sflag:s0], s1  }
0x4a: {  	s1 =	ssub.s32 @!p0 $0x0, s1;
	[sflag:s0] =	ssyncset.done @!p0 $0x0  }
0x4b: {  	[sflag:s0] =	ssyncadd.s32 @!p0 s1  }
0x4c: {  	[bflag:$0x3] =	sbarrier.arrive $0xFFFF  }
0x4d: {  	_ =	shalt  }

</sc_bundles>
